<compile_context>
chip_gen: v7x
topology: tpu7x:2x2x1
jax: 0.10.2.dev20260603
libtpu: 0.0.44.dev20260713+nightly
codegen_flags: <defaults>
</compile_context>

<pallas_src>
import functools

import jax
import jax.numpy as jnp
from jax import lax
from jax.experimental import pallas as pl
from jax.experimental.pallas import tpu as pltpu
from jax.experimental.pallas import tpu_sc as plsc

B = 16384
H = 1024
D_OUT = 128
BM = 8192

_NC, _NS = 2, 16
_NW = _NC * _NS
_BPW = B // _NW


def _sc_gather(user_idx, cat0, cat1, user_emb_w, top_cat_emb_w,
               hour_emb_pad):
    mesh = plsc.VectorSubcoreMesh(core_axis_name="c", subcore_axis_name="s")

    @functools.partial(
        pl.kernel,
        mesh=mesh,
        compiler_params=pltpu.CompilerParams(use_tc_tiling_on_sc=False, needs_layout_passes=False),
        out_type=jax.ShapeDtypeStruct((B, 128), jnp.float32),
        scratch_types=[
            pltpu.VMEM((_BPW,), jnp.int32),
            pltpu.VMEM((_BPW,), jnp.int32),
            pltpu.VMEM((_BPW,), jnp.int32),
            pltpu.VMEM((_BPW, 32), jnp.float32),
            pltpu.VMEM((_BPW, 16), jnp.float32),
            pltpu.VMEM((_BPW, 16), jnp.float32),
            pltpu.VMEM((1000 * 16 + 64,), jnp.float32),
            pltpu.SemaphoreType.DMA,
            pltpu.SemaphoreType.DMA,
            pltpu.SemaphoreType.DMA,
        ],
    )
    def k(uidx_hbm, c0_hbm, c1_hbm, ut_hbm, tab_hbm,
          out_x,
          uidx_v, c0_v, c1_v, ue_v, ce_v, he_v, tab_v,
          sem0, sem1, sem2):
        wid = lax.axis_index("s") * _NC + lax.axis_index("c")
        base = wid * _BPW
        i0 = pltpu.async_copy(uidx_hbm.at[pl.ds(base, _BPW)], uidx_v, sem0)
        i1 = pltpu.async_copy(c0_hbm.at[pl.ds(base, _BPW)], c0_v, sem1)
        i2 = pltpu.async_copy(c1_hbm.at[pl.ds(base, _BPW)], c1_v, sem2)
        t0 = pltpu.async_copy(tab_hbm, tab_v, sem1)
        i0.wait()
        cpu = pltpu.async_copy(ut_hbm.at[uidx_v], ue_v, sem0)
        i1.wait()
        i2.wait()
        t0.wait()
        iota = lax.iota(jnp.int32, 16)

        def step(g, _):
            r0 = g * 16
            c0v = c0_v[pl.ds(r0, 16)]
            c1v = c1_v[pl.ds(r0, 16)]
            cg = c0v * 16
            hg = c1v * 16 + 16000
            rows = r0 + iota
            for d in range(16):
                dl = jnp.full((16,), d, jnp.int32)
                valc = plsc.load_gather(tab_v, [cg + d])
                plsc.store_scatter(ce_v, [rows, dl], valc)
                valh = plsc.load_gather(tab_v, [hg + d])
                plsc.store_scatter(he_v, [rows, dl], valh)
            return _

        lax.fori_loop(0, _BPW // 16, step, 0, unroll=2)
        rows = pl.ds(base, _BPW)
        o1 = pltpu.async_copy(ce_v, out_x.at[rows, pl.ds(32, 16)], sem1)
        o2 = pltpu.async_copy(he_v, out_x.at[rows, pl.ds(48, 16)], sem2)
        cpu.wait()
        o0 = pltpu.async_copy(ue_v, out_x.at[rows, pl.ds(0, 32)], sem0)
        o0.wait()
        o1.wait()
        o2.wait()

    tabs = jnp.concatenate(
        [top_cat_emb_w.reshape(-1), hour_emb_pad.reshape(-1)])
    return k(user_idx, cat0, cat1, user_emb_w, tabs)


def _tc_mlp(x, ud, pf, w1f, b1f, w2t, b2):

    def body(x_ref, ud_ref, pf_ref, w1_ref, b1_ref,
             w2_ref, b2_ref, out_ref):
        z = jnp.zeros((BM, 7), jnp.bfloat16)
        xc = jnp.concatenate(
            [x_ref[:, 0:64].astype(jnp.bfloat16),
             ud_ref[...].astype(jnp.bfloat16),
             pf_ref[...].astype(jnp.bfloat16), z],
            axis=1)
        h = jnp.dot(xc, w1_ref[...], preferred_element_type=jnp.float32)
        h = jnp.maximum(h + b1_ref[...], 0.0).astype(jnp.bfloat16)
        o = jnp.dot(h, w2_ref[...], preferred_element_type=jnp.float32)
        o = o + b2_ref[...]
        ss = jnp.sum(o * o, axis=1, keepdims=True)
        nrm = jnp.maximum(jnp.sqrt(ss), 1e-12)
        out_ref[...] = o / nrm

    grid = (B // BM,)
    return pl.pallas_call(
        body,
        grid=grid,
        in_specs=[
            pl.BlockSpec((BM, 128), lambda i: (i, 0)),
            pl.BlockSpec((BM, 8), lambda i: (i, 0)),
            pl.BlockSpec((BM, 1), lambda i: (i, 0)),
            pl.BlockSpec((80, H), lambda i: (0, 0)),
            pl.BlockSpec((1, H), lambda i: (0, 0)),
            pl.BlockSpec((H, D_OUT), lambda i: (0, 0)),
            pl.BlockSpec((1, D_OUT), lambda i: (0, 0)),
        ],
        out_specs=pl.BlockSpec((BM, D_OUT), lambda i: (i, 0)),
        out_shape=jax.ShapeDtypeStruct((B, D_OUT), jnp.float32),
    )(x, ud, pf, w1f, b1f, w2t, b2)


def kernel(user_idx, user_cat, user_dense, user_emb_w, top_cat_emb_w,
           hour_emb_w, W1, b1, gamma, beta, run_mean, run_var, W2, b2):
    uidx = user_idx.astype(jnp.int32)
    cat0 = user_cat[:, 0].astype(jnp.int32)
    cat1 = user_cat[:, 1].astype(jnp.int32)
    pf = user_cat[:, 3:4].astype(jnp.float32)

    ht_pad = jnp.pad(hour_emb_w, ((0, 0), (0, 8)))

    s = gamma * lax.rsqrt(run_var + 1e-5)
    b1f = ((b1 - run_mean) * s + beta).reshape(1, H)
    w1s = W1 * s[:, None]
    w1t = w1s.T
    w1f = jnp.concatenate(
        [w1t[0:32], w1t[32:48], w1t[48:56], jnp.zeros((8, H), jnp.float32),
         w1t[56:64], w1t[64:65], jnp.zeros((7, H), jnp.float32)], axis=0)
    w1f = w1f.astype(jnp.bfloat16)
    w2t = W2.T.astype(jnp.bfloat16)
    b2r = b2.reshape(1, D_OUT)

    x = _sc_gather(uidx, cat0, cat1, user_emb_w, top_cat_emb_w, ht_pad)
    return _tc_mlp(x, user_dense, pf, w1f, b1f, w2t, b2r)

# --- scband reference (transcript-rebuilt; emitter-appended) ---
"""Pipeline reference for scband-user-tower-v2-53635551592862 (READ-ONLY COPY).

The authoritative reference and input builder live on the scoring server;
editing this copy changes nothing except your own understanding.
"""

import jax, jax.numpy as jnp
import numpy as np

B = 16384
N_USERS = 100000
N_TOP_CATS = 1000
N_HOUR = 4
D_IN = 32 + 16 + 8 + 8 + 1
H = 1024
D_OUT = 128


def setup_inputs(seed: int = 0) -> dict:
    key = jax.random.key(seed)
    ks = jax.random.split(key, 10)
    user_idx = jax.random.randint(ks[0], (B,), 0, N_USERS)
    user_cat = jax.random.randint(ks[1], (B, 4), 0, 2)
    user_dense = jax.random.normal(ks[2], (B, 8), dtype=jnp.float32)
    user_emb_w = 0.01 * jax.random.normal(ks[3], (N_USERS, 32), dtype=jnp.float32)
    top_cat_emb_w = 0.01 * jax.random.normal(ks[4], (N_TOP_CATS, 16), dtype=jnp.float32)
    hour_emb_w = 0.01 * jax.random.normal(ks[5], (N_HOUR, 8), dtype=jnp.float32)
    lim1 = float(np.sqrt(6.0 / (D_IN + H)))
    W1 = jax.random.uniform(ks[6], (H, D_IN), minval=-lim1, maxval=lim1, dtype=jnp.float32)
    b1 = jnp.zeros((H,), dtype=jnp.float32)
    gamma = jnp.ones((H,), dtype=jnp.float32)
    beta = jnp.zeros((H,), dtype=jnp.float32)
    run_mean = jnp.zeros((H,), dtype=jnp.float32)
    run_var = jnp.ones((H,), dtype=jnp.float32)
    lim2 = float(np.sqrt(6.0 / (H + D_OUT)))
    W2 = jax.random.uniform(ks[7], (D_OUT, H), minval=-lim2, maxval=lim2, dtype=jnp.float32)
    b2 = jnp.zeros((D_OUT,), dtype=jnp.float32)
    return {
        'user_idx': user_idx, 'user_cat': user_cat, 'user_dense': user_dense,
        'user_emb_w': user_emb_w, 'top_cat_emb_w': top_cat_emb_w, 'hour_emb_w': hour_emb_w,
        'W1': W1, 'b1': b1, 'gamma': gamma, 'beta': beta,
        'run_mean': run_mean, 'run_var': run_var, 'W2': W2, 'b2': b2,
    }


def reference(user_idx, user_cat, user_dense, user_emb_w, top_cat_emb_w, hour_emb_w,
              W1, b1, gamma, beta, run_mean, run_var, W2, b2):
    # Embedding lookups (gather)
    e_user = jnp.take(user_emb_w, user_idx, axis=0)
    e_top_cat = jnp.take(top_cat_emb_w, user_cat[:, 0], axis=0)
    e_hour = jnp.take(hour_emb_w, user_cat[:, 1], axis=0)
    has_purch = user_cat[:, 3:4].astype(jnp.float32)
    x = jnp.concatenate([e_user, e_top_cat, e_hour, user_dense, has_purch], axis=1)
    # Linear -> BatchNorm1d (eval mode: running stats) -> ReLU -> Dropout(noop in eval) -> Linear
    h = x @ W1.T + b1
    h = (h - run_mean) / jnp.sqrt(run_var + 1e-5) * gamma + beta
    h = jax.nn.relu(h)
    out = h @ W2.T + b2
    # F.normalize(dim=1): x / max(||x||_2, eps)
    norm = jnp.linalg.norm(out, axis=1, keepdims=True)
    return out / jnp.maximum(norm, 1e-12)

if __name__ == "__main__":
    import jax
    _d = setup_inputs()
    print(jax.jit(kernel)(*tuple(_d.values())))

</pallas_src>

<mosaic_0001>
#map = affine_map<(d0, d1) -> (0)>
#map1 = affine_map<(d0, d1) -> (0, 0)>
module attributes {stable_mosaic.version = 14 : i64} {
  func.func @k(%arg0: i32, %arg1: i32, %arg2: memref<16384xi32, #tpu.memory_space<hbm>>, %arg3: memref<16384xi32, #tpu.memory_space<hbm>>, %arg4: memref<16384xi32, #tpu.memory_space<hbm>>, %arg5: memref<100000x32xf32, #tpu.memory_space<hbm>>, %arg6: memref<16064xf32, #tpu.memory_space<hbm>>, %arg7: memref<16384x128xf32, #tpu.memory_space<hbm>>, %arg8: memref<512xi32, #tpu.memory_space<vmem>>, %arg9: memref<512xi32, #tpu.memory_space<vmem>>, %arg10: memref<512xi32, #tpu.memory_space<vmem>>, %arg11: memref<512x32xf32, #tpu.memory_space<vmem>>, %arg12: memref<512x16xf32, #tpu.memory_space<vmem>>, %arg13: memref<512x16xf32, #tpu.memory_space<vmem>>, %arg14: memref<16064xf32, #tpu.memory_space<vmem>>, %arg15: memref<!tpu.dma_semaphore, #tpu.memory_space<semaphore_mem>>, %arg16: memref<!tpu.dma_semaphore, #tpu.memory_space<semaphore_mem>>, %arg17: memref<!tpu.dma_semaphore, #tpu.memory_space<semaphore_mem>>) attributes {dimension_semantics = [#tpu.dimension_semantics<core_parallel>, #tpu.dimension_semantics<subcore_parallel>], iteration_bounds = array<i64: 2, 16>, scalar_prefetch = 0 : i64, scratch_operands = 10 : i64, tpu.core_type = #tpu.core_type<sc_vector_subcore>, window_params = [{transform_indices = #map}, {transform_indices = #map}, {transform_indices = #map}, {transform_indices = #map1}, {transform_indices = #map}, {transform_indices = #map1}]} {
    %mul3A = arith.constant 2 : i32
    %mul3A_0 = arith.muli %arg1, %mul3A : i32
    %add3A = arith.addi %mul3A_0, %arg0 : i32
    %mul3A_1 = arith.constant 512 : i32
    %mul3A_2 = arith.muli %add3A, %mul3A_1 : i32
    %dma_start3A = tpu.memref_slice %arg2[%mul3A_2] : memref<16384xi32, #tpu.memory_space<hbm>> -> memref<512xi32, #tpu.memory_space<hbm>>
    %dma_start3A_3 = tpu.memref_slice %arg2[%mul3A_2] : memref<16384xi32, #tpu.memory_space<hbm>> -> memref<512xi32, #tpu.memory_space<hbm>>
    tpu.enqueue_dma source(%dma_start3A_3 : memref<512xi32, #tpu.memory_space<hbm>>) target(%arg8 : memref<512xi32, #tpu.memory_space<vmem>>) target_semaphore(%arg15 : memref<!tpu.dma_semaphore, #tpu.memory_space<semaphore_mem>>)
    %dma_start3A_4 = tpu.memref_slice %arg3[%mul3A_2] : memref<16384xi32, #tpu.memory_space<hbm>> -> memref<512xi32, #tpu.memory_space<hbm>>
    %dma_start3A_5 = tpu.memref_slice %arg3[%mul3A_2] : memref<16384xi32, #tpu.memory_space<hbm>> -> memref<512xi32, #tpu.memory_space<hbm>>
    tpu.enqueue_dma source(%dma_start3A_5 : memref<512xi32, #tpu.memory_space<hbm>>) target(%arg9 : memref<512xi32, #tpu.memory_space<vmem>>) target_semaphore(%arg16 : memref<!tpu.dma_semaphore, #tpu.memory_space<semaphore_mem>>)
    %dma_start3A_6 = tpu.memref_slice %arg4[%mul3A_2] : memref<16384xi32, #tpu.memory_space<hbm>> -> memref<512xi32, #tpu.memory_space<hbm>>
    %dma_start3A_7 = tpu.memref_slice %arg4[%mul3A_2] : memref<16384xi32, #tpu.memory_space<hbm>> -> memref<512xi32, #tpu.memory_space<hbm>>
    tpu.enqueue_dma source(%dma_start3A_7 : memref<512xi32, #tpu.memory_space<hbm>>) target(%arg10 : memref<512xi32, #tpu.memory_space<vmem>>) target_semaphore(%arg17 : memref<!tpu.dma_semaphore, #tpu.memory_space<semaphore_mem>>)
    tpu.enqueue_dma source(%arg6 : memref<16064xf32, #tpu.memory_space<hbm>>) target(%arg14 : memref<16064xf32, #tpu.memory_space<vmem>>) target_semaphore(%arg16 : memref<!tpu.dma_semaphore, #tpu.memory_space<semaphore_mem>>)
    %dma_wait3A = tpu.memref_slice %arg2[%mul3A_2] : memref<16384xi32, #tpu.memory_space<hbm>> -> memref<512xi32, #tpu.memory_space<hbm>>
    %dma_wait3A_8 = tpu.memref_slice %arg2[%mul3A_2] : memref<16384xi32, #tpu.memory_space<hbm>> -> memref<512xi32, #tpu.memory_space<hbm>>
    tpu.wait_dma2 semaphore(%arg15 : memref<!tpu.dma_semaphore, #tpu.memory_space<semaphore_mem>>) src(%dma_wait3A_8 : memref<512xi32, #tpu.memory_space<hbm>>) dst(%arg8 : memref<512xi32, #tpu.memory_space<vmem>>)
    %dma_start3A_9 = arith.constant 0 : i32
    %dma_start3A_10 = arith.constant 0 : i32
    %dma_start3A_11 = tpu.memref_slice %arg5[%dma_start3A_9, %dma_start3A_10] : memref<100000x32xf32, #tpu.memory_space<hbm>> -> memref<100000x32xf32, #tpu.memory_space<hbm>>
    tpu.enqueue_indirect_dma source(%dma_start3A_11 : memref<100000x32xf32, #tpu.memory_space<hbm>>) target(%arg11 : memref<512x32xf32, #tpu.memory_space<vmem>>) offsets(%arg8 : memref<512xi32, #tpu.memory_space<vmem>>) semaphore(%arg15 : memref<!tpu.dma_semaphore, #tpu.memory_space<semaphore_mem>>)
    %dma_wait3A_12 = tpu.memref_slice %arg3[%mul3A_2] : memref<16384xi32, #tpu.memory_space<hbm>> -> memref<512xi32, #tpu.memory_space<hbm>>
    %dma_wait3A_13 = tpu.memref_slice %arg3[%mul3A_2] : memref<16384xi32, #tpu.memory_space<hbm>> -> memref<512xi32, #tpu.memory_space<hbm>>
    tpu.wait_dma2 semaphore(%arg16 : memref<!tpu.dma_semaphore, #tpu.memory_space<semaphore_mem>>) src(%dma_wait3A_13 : memref<512xi32, #tpu.memory_space<hbm>>) dst(%arg9 : memref<512xi32, #tpu.memory_space<vmem>>)
    %dma_wait3A_14 = tpu.memref_slice %arg4[%mul3A_2] : memref<16384xi32, #tpu.memory_space<hbm>> -> memref<512xi32, #tpu.memory_space<hbm>>
    %dma_wait3A_15 = tpu.memref_slice %arg4[%mul3A_2] : memref<16384xi32, #tpu.memory_space<hbm>> -> memref<512xi32, #tpu.memory_space<hbm>>
    tpu.wait_dma2 semaphore(%arg17 : memref<!tpu.dma_semaphore, #tpu.memory_space<semaphore_mem>>) src(%dma_wait3A_15 : memref<512xi32, #tpu.memory_space<hbm>>) dst(%arg10 : memref<512xi32, #tpu.memory_space<vmem>>)
    tpu.wait_dma2 semaphore(%arg16 : memref<!tpu.dma_semaphore, #tpu.memory_space<semaphore_mem>>) src(%arg6 : memref<16064xf32, #tpu.memory_space<hbm>>) dst(%arg14 : memref<16064xf32, #tpu.memory_space<vmem>>)
    %iota3A = tpu.iota {dimensions = array<i32: 0>} : vector<16xi32>
    %scan3A = arith.constant 0 : i32
    %scan3A_16 = arith.constant 0 : i32
    %scan3A_17 = arith.constant 32 : i32
    %scan3A_18 = arith.addi %scan3A_16, %scan3A_17 : i32
    %scan3A_19 = arith.constant 2 : i32
    scf.for %scan3A_48 = %scan3A_16 to %scan3A_18 step %scan3A_19  : i32 {
      %mul3A_49 = arith.constant 16 : i32
      %mul3A_50 = arith.muli %scan3A_48, %mul3A_49 : i32
      %get3A = arith.index_cast %mul3A_50 : i32 to index
      %get3A_51 = tpu.vector_load %arg9[%get3A] {strides = array<i32>} : memref<512xi32, #tpu.memory_space<vmem>>, vector<16xi32>,
      %get3A_52 = arith.index_cast %mul3A_50 : i32 to index
      %get3A_53 = tpu.vector_load %arg10[%get3A_52] {strides = array<i32>} : memref<512xi32, #tpu.memory_space<vmem>>, vector<16xi32>,
      %mul3A_54 = arith.constant 16 : i32
      %mul3A_55 = vector.broadcast %mul3A_54 : i32 to vector<16xi32>
      %mul3A_56 = arith.muli %get3A_51, %mul3A_55 : vector<16xi32>
      %mul3A_57 = arith.constant 16 : i32
      %mul3A_58 = vector.broadcast %mul3A_57 : i32 to vector<16xi32>
      %mul3A_59 = arith.muli %get3A_53, %mul3A_58 : vector<16xi32>
      %add3A_60 = arith.constant 16000 : i32
      %add3A_61 = vector.broadcast %add3A_60 : i32 to vector<16xi32>
      %add3A_62 = arith.addi %mul3A_59, %add3A_61 : vector<16xi32>
      %add3A_63 = vector.broadcast %mul3A_50 : i32 to vector<16xi32>
      %add3A_64 = arith.addi %add3A_63, %iota3A : vector<16xi32>
      %broadcast_in_dim3A = arith.constant 0 : i32
      %broadcast_in_dim3A_65 = vector.broadcast %broadcast_in_dim3A : i32 to vector<16xi32>
      %add3A_66 = arith.constant 0 : i32
      %add3A_67 = vector.broadcast %add3A_66 : i32 to vector<16xi32>
      %add3A_68 = arith.addi %mul3A_56, %add3A_67 : vector<16xi32>
      %gather3A = tpu.vector_load_idx %arg14[%add3A_68] : memref<16064xf32, #tpu.memory_space<vmem>>[vector<16xi32>], vector<16xf32>,
      tpu.vector_store_idx %arg12[%add3A_64, %broadcast_in_dim3A_65], %gather3A : memref<512x16xf32, #tpu.memory_space<vmem>>[vector<16xi32>, vector<16xi32>], vector<16xf32>,
      %add3A_69 = arith.constant 0 : i32
      %add3A_70 = vector.broadcast %add3A_69 : i32 to vector<16xi32>
      %add3A_71 = arith.addi %add3A_62, %add3A_70 : vector<16xi32>
      %gather3A_72 = tpu.vector_load_idx %arg14[%add3A_71] : memref<16064xf32, #tpu.memory_space<vmem>>[vector<16xi32>], vector<16xf32>,
      tpu.vector_store_idx %arg13[%add3A_64, %broadcast_in_dim3A_65], %gather3A_72 : memref<512x16xf32, #tpu.memory_space<vmem>>[vector<16xi32>, vector<16xi32>], vector<16xf32>,
      %broadcast_in_dim3A_73 = arith.constant 1 : i32
      %broadcast_in_dim3A_74 = vector.broadcast %broadcast_in_dim3A_73 : i32 to vector<16xi32>
      %add3A_75 = arith.constant 1 : i32
      %add3A_76 = vector.broadcast %add3A_75 : i32 to vector<16xi32>
      %add3A_77 = arith.addi %mul3A_56, %add3A_76 : vector<16xi32>
      %gather3A_78 = tpu.vector_load_idx %arg14[%add3A_77] : memref<16064xf32, #tpu.memory_space<vmem>>[vector<16xi32>], vector<16xf32>,
      tpu.vector_store_idx %arg12[%add3A_64, %broadcast_in_dim3A_74], %gather3A_78 : memref<512x16xf32, #tpu.memory_space<vmem>>[vector<16xi32>, vector<16xi32>], vector<16xf32>,
      %add3A_79 = arith.constant 1 : i32
      %add3A_80 = vector.broadcast %add3A_79 : i32 to vector<16xi32>
      %add3A_81 = arith.addi %add3A_62, %add3A_80 : vector<16xi32>
      %gather3A_82 = tpu.vector_load_idx %arg14[%add3A_81] : memref<16064xf32, #tpu.memory_space<vmem>>[vector<16xi32>], vector<16xf32>,
      tpu.vector_store_idx %arg13[%add3A_64, %broadcast_in_dim3A_74], %gather3A_82 : memref<512x16xf32, #tpu.memory_space<vmem>>[vector<16xi32>, vector<16xi32>], vector<16xf32>,
      %broadcast_in_dim3A_83 = arith.constant 2 : i32
      %broadcast_in_dim3A_84 = vector.broadcast %broadcast_in_dim3A_83 : i32 to vector<16xi32>
      %add3A_85 = arith.constant 2 : i32
      %add3A_86 = vector.broadcast %add3A_85 : i32 to vector<16xi32>
      %add3A_87 = arith.addi %mul3A_56, %add3A_86 : vector<16xi32>
      %gather3A_88 = tpu.vector_load_idx %arg14[%add3A_87] : memref<16064xf32, #tpu.memory_space<vmem>>[vector<16xi32>], vector<16xf32>,
      tpu.vector_store_idx %arg12[%add3A_64, %broadcast_in_dim3A_84], %gather3A_88 : memref<512x16xf32, #tpu.memory_space<vmem>>[vector<16xi32>, vector<16xi32>], vector<16xf32>,
      %add3A_89 = arith.constant 2 : i32
      %add3A_90 = vector.broadcast %add3A_89 : i32 to vector<16xi32>
      %add3A_91 = arith.addi %add3A_62, %add3A_90 : vector<16xi32>
      %gather3A_92 = tpu.vector_load_idx %arg14[%add3A_91] : memref<16064xf32, #tpu.memory_space<vmem>>[vector<16xi32>], vector<16xf32>,
      tpu.vector_store_idx %arg13[%add3A_64, %broadcast_in_dim3A_84], %gather3A_92 : memref<512x16xf32, #tpu.memory_space<vmem>>[vector<16xi32>, vector<16xi32>], vector<16xf32>,
      %broadcast_in_dim3A_93 = arith.constant 3 : i32
      %broadcast_in_dim3A_94 = vector.broadcast %broadcast_in_dim3A_93 : i32 to vector<16xi32>
      %add3A_95 = arith.constant 3 : i32
      %add3A_96 = vector.broadcast %add3A_95 : i32 to vector<16xi32>
      %add3A_97 = arith.addi %mul3A_56, %add3A_96 : vector<16xi32>
      %gather3A_98 = tpu.vector_load_idx %arg14[%add3A_97] : memref<16064xf32, #tpu.memory_space<vmem>>[vector<16xi32>], vector<16xf32>,
      tpu.vector_store_idx %arg12[%add3A_64, %broadcast_in_dim3A_94], %gather3A_98 : memref<512x16xf32, #tpu.memory_space<vmem>>[vector<16xi32>, vector<16xi32>], vector<16xf32>,
      %add3A_99 = arith.constant 3 : i32
      %add3A_100 = vector.broadcast %add3A_99 : i32 to vector<16xi32>
      %add3A_101 = arith.addi %add3A_62, %add3A_100 : vector<16xi32>
      %gather3A_102 = tpu.vector_load_idx %arg14[%add3A_101] : memref<16064xf32, #tpu.memory_space<vmem>>[vector<16xi32>], vector<16xf32>,
      tpu.vector_store_idx %arg13[%add3A_64, %broadcast_in_dim3A_94], %gather3A_102 : memref<512x16xf32, #tpu.memory_space<vmem>>[vector<16xi32>, vector<16xi32>], vector<16xf32>,
      %broadcast_in_dim3A_103 = arith.constant 4 : i32
      %broadcast_in_dim3A_104 = vector.broadcast %broadcast_in_dim3A_103 : i32 to vector<16xi32>
      %add3A_105 = arith.constant 4 : i32
      %add3A_106 = vector.broadcast %add3A_105 : i32 to vector<16xi32>
      %add3A_107 = arith.addi %mul3A_56, %add3A_106 : vector<16xi32>
      %gather3A_108 = tpu.vector_load_idx %arg14[%add3A_107] : memref<16064xf32, #tpu.memory_space<vmem>>[vector<16xi32>], vector<16xf32>,
      tpu.vector_store_idx %arg12[%add3A_64, %broadcast_in_dim3A_104], %gather3A_108 : memref<512x16xf32, #tpu.memory_space<vmem>>[vector<16xi32>, vector<16xi32>], vector<16xf32>,
      %add3A_109 = arith.constant 4 : i32
      %add3A_110 = vector.broadcast %add3A_109 : i32 to vector<16xi32>
      %add3A_111 = arith.addi %add3A_62, %add3A_110 : vector<16xi32>
      %gather3A_112 = tpu.vector_load_idx %arg14[%add3A_111] : memref<16064xf32, #tpu.memory_space<vmem>>[vector<16xi32>], vector<16xf32>,
      tpu.vector_store_idx %arg13[%add3A_64, %broadcast_in_dim3A_104], %gather3A_112 : memref<512x16xf32, #tpu.memory_space<vmem>>[vector<16xi32>, vector<16xi32>], vector<16xf32>,
      %broadcast_in_dim3A_113 = arith.constant 5 : i32
      %broadcast_in_dim3A_114 = vector.broadcast %broadcast_in_dim3A_113 : i32 to vector<16xi32>
      %add3A_115 = arith.constant 5 : i32
      %add3A_116 = vector.broadcast %add3A_115 : i32 to vector<16xi32>
      %add3A_117 = arith.addi %mul3A_56, %add3A_116 : vector<16xi32>
      %gather3A_118 = tpu.vector_load_idx %arg14[%add3A_117] : memref<16064xf32, #tpu.memory_space<vmem>>[vector<16xi32>], vector<16xf32>,
      tpu.vector_store_idx %arg12[%add3A_64, %broadcast_in_dim3A_114], %gather3A_118 : memref<512x16xf32, #tpu.memory_space<vmem>>[vector<16xi32>, vector<16xi32>], vector<16xf32>,
      %add3A_119 = arith.constant 5 : i32
      %add3A_120 = vector.broadcast %add3A_119 : i32 to vector<16xi32>
      %add3A_121 = arith.addi %add3A_62, %add3A_120 : vector<16xi32>
      %gather3A_122 = tpu.vector_load_idx %arg14[%add3A_121] : memref<16064xf32, #tpu.memory_space<vmem>>[vector<16xi32>], vector<16xf32>,
      tpu.vector_store_idx %arg13[%add3A_64, %broadcast_in_dim3A_114], %gather3A_122 : memref<512x16xf32, #tpu.memory_space<vmem>>[vector<16xi32>, vector<16xi32>], vector<16xf32>,
      %broadcast_in_dim3A_123 = arith.constant 6 : i32
      %broadcast_in_dim3A_124 = vector.broadcast %broadcast_in_dim3A_123 : i32 to vector<16xi32>
      %add3A_125 = arith.constant 6 : i32
      %add3A_126 = vector.broadcast %add3A_125 : i32 to vector<16xi32>
      %add3A_127 = arith.addi %mul3A_56, %add3A_126 : vector<16xi32>
      %gather3A_128 = tpu.vector_load_idx %arg14[%add3A_127] : memref<16064xf32, #tpu.memory_space<vmem>>[vector<16xi32>], vector<16xf32>,
      tpu.vector_store_idx %arg12[%add3A_64, %broadcast_in_dim3A_124], %gather3A_128 : memref<512x16xf32, #tpu.memory_space<vmem>>[vector<16xi32>, vector<16xi32>], vector<16xf32>,
      %add3A_129 = arith.constant 6 : i32
      %add3A_130 = vector.broadcast %add3A_129 : i32 to vector<16xi32>
      %add3A_131 = arith.addi %add3A_62, %add3A_130 : vector<16xi32>
      %gather3A_132 = tpu.vector_load_idx %arg14[%add3A_131] : memref<16064xf32, #tpu.memory_space<vmem>>[vector<16xi32>], vector<16xf32>,
      tpu.vector_store_idx %arg13[%add3A_64, %broadcast_in_dim3A_124], %gather3A_132 : memref<512x16xf32, #tpu.memory_space<vmem>>[vector<16xi32>, vector<16xi32>], vector<16xf32>,
      %broadcast_in_dim3A_133 = arith.constant 7 : i32
      %broadcast_in_dim3A_134 = vector.broadcast %broadcast_in_dim3A_133 : i32 to vector<16xi32>
      %add3A_135 = arith.constant 7 : i32
      %add3A_136 = vector.broadcast %add3A_135 : i32 to vector<16xi32>
      %add3A_137 = arith.addi %mul3A_56, %add3A_136 : vector<16xi32>
      %gather3A_138 = tpu.vector_load_idx %arg14[%add3A_137] : memref<16064xf32, #tpu.memory_space<vmem>>[vector<16xi32>], vector<16xf32>,
      tpu.vector_store_idx %arg12[%add3A_64, %broadcast_in_dim3A_134], %gather3A_138 : memref<512x16xf32, #tpu.memory_space<vmem>>[vector<16xi32>, vector<16xi32>], vector<16xf32>,
      %add3A_139 = arith.constant 7 : i32
      %add3A_140 = vector.broadcast %add3A_139 : i32 to vector<16xi32>
      %add3A_141 = arith.addi %add3A_62, %add3A_140 : vector<16xi32>
      %gather3A_142 = tpu.vector_load_idx %arg14[%add3A_141] : memref<16064xf32, #tpu.memory_space<vmem>>[vector<16xi32>], vector<16xf32>,
      tpu.vector_store_idx %arg13[%add3A_64, %broadcast_in_dim3A_134], %gather3A_142 : memref<512x16xf32, #tpu.memory_space<vmem>>[vector<16xi32>, vector<16xi32>], vector<16xf32>,
      %broadcast_in_dim3A_143 = arith.constant 8 : i32
      %broadcast_in_dim3A_144 = vector.broadcast %broadcast_in_dim3A_143 : i32 to vector<16xi32>
      %add3A_145 = arith.constant 8 : i32
      %add3A_146 = vector.broadcast %add3A_145 : i32 to vector<16xi32>
      %add3A_147 = arith.addi %mul3A_56, %add3A_146 : vector<16xi32>
      %gather3A_148 = tpu.vector_load_idx %arg14[%add3A_147] : memref<16064xf32, #tpu.memory_space<vmem>>[vector<16xi32>], vector<16xf32>,
      tpu.vector_store_idx %arg12[%add3A_64, %broadcast_in_dim3A_144], %gather3A_148 : memref<512x16xf32, #tpu.memory_space<vmem>>[vector<16xi32>, vector<16xi32>], vector<16xf32>,
      %add3A_149 = arith.constant 8 : i32
      %add3A_150 = vector.broadcast %add3A_149 : i32 to vector<16xi32>
      %add3A_151 = arith.addi %add3A_62, %add3A_150 : vector<16xi32>
      %gather3A_152 = tpu.vector_load_idx %arg14[%add3A_151] : memref<16064xf32, #tpu.memory_space<vmem>>[vector<16xi32>], vector<16xf32>,
      tpu.vector_store_idx %arg13[%add3A_64, %broadcast_in_dim3A_144], %gather3A_152 : memref<512x16xf32, #tpu.memory_space<vmem>>[vector<16xi32>, vector<16xi32>], vector<16xf32>,
      %broadcast_in_dim3A_153 = arith.constant 9 : i32
      %broadcast_in_dim3A_154 = vector.broadcast %broadcast_in_dim3A_153 : i32 to vector<16xi32>
      %add3A_155 = arith.constant 9 : i32
      %add3A_156 = vector.broadcast %add3A_155 : i32 to vector<16xi32>
      %add3A_157 = arith.addi %mul3A_56, %add3A_156 : vector<16xi32>
      %gather3A_158 = tpu.vector_load_idx %arg14[%add3A_157] : memref<16064xf32, #tpu.memory_space<vmem>>[vector<16xi32>], vector<16xf32>,
      tpu.vector_store_idx %arg12[%add3A_64, %broadcast_in_dim3A_154], %gather3A_158 : memref<512x16xf32, #tpu.memory_space<vmem>>[vector<16xi32>, vector<16xi32>], vector<16xf32>,
      %add3A_159 = arith.constant 9 : i32
      %add3A_160 = vector.broadcast %add3A_159 : i32 to vector<16xi32>
      %add3A_161 = arith.addi %add3A_62, %add3A_160 : vector<16xi32>
      %gather3A_162 = tpu.vector_load_idx %arg14[%add3A_161] : memref<16064xf32, #tpu.memory_space<vmem>>[vector<16xi32>], vector<16xf32>,
      tpu.vector_store_idx %arg13[%add3A_64, %broadcast_in_dim3A_154], %gather3A_162 : memref<512x16xf32, #tpu.memory_space<vmem>>[vector<16xi32>, vector<16xi32>], vector<16xf32>,
      %broadcast_in_dim3A_163 = arith.constant 10 : i32
      %broadcast_in_dim3A_164 = vector.broadcast %broadcast_in_dim3A_163 : i32 to vector<16xi32>
      %add3A_165 = arith.constant 10 : i32
      %add3A_166 = vector.broadcast %add3A_165 : i32 to vector<16xi32>
      %add3A_167 = arith.addi %mul3A_56, %add3A_166 : vector<16xi32>
      %gather3A_168 = tpu.vector_load_idx %arg14[%add3A_167] : memref<16064xf32, #tpu.memory_space<vmem>>[vector<16xi32>], vector<16xf32>,
      tpu.vector_store_idx %arg12[%add3A_64, %broadcast_in_dim3A_164], %gather3A_168 : memref<512x16xf32, #tpu.memory_space<vmem>>[vector<16xi32>, vector<16xi32>], vector<16xf32>,
      %add3A_169 = arith.constant 10 : i32
      %add3A_170 = vector.broadcast %add3A_169 : i32 to vector<16xi32>
      %add3A_171 = arith.addi %add3A_62, %add3A_170 : vector<16xi32>
      %gather3A_172 = tpu.vector_load_idx %arg14[%add3A_171] : memref<16064xf32, #tpu.memory_space<vmem>>[vector<16xi32>], vector<16xf32>,
      tpu.vector_store_idx %arg13[%add3A_64, %broadcast_in_dim3A_164], %gather3A_172 : memref<512x16xf32, #tpu.memory_space<vmem>>[vector<16xi32>, vector<16xi32>], vector<16xf32>,
      %broadcast_in_dim3A_173 = arith.constant 11 : i32
      %broadcast_in_dim3A_174 = vector.broadcast %broadcast_in_dim3A_173 : i32 to vector<16xi32>
      %add3A_175 = arith.constant 11 : i32
      %add3A_176 = vector.broadcast %add3A_175 : i32 to vector<16xi32>
      %add3A_177 = arith.addi %mul3A_56, %add3A_176 : vector<16xi32>
      %gather3A_178 = tpu.vector_load_idx %arg14[%add3A_177] : memref<16064xf32, #tpu.memory_space<vmem>>[vector<16xi32>], vector<16xf32>,
      tpu.vector_store_idx %arg12[%add3A_64, %broadcast_in_dim3A_174], %gather3A_178 : memref<512x16xf32, #tpu.memory_space<vmem>>[vector<16xi32>, vector<16xi32>], vector<16xf32>,
      %add3A_179 = arith.constant 11 : i32
      %add3A_180 = vector.broadcast %add3A_179 : i32 to vector<16xi32>
      %add3A_181 = arith.addi %add3A_62, %add3A_180 : vector<16xi32>
      %gather3A_182 = tpu.vector_load_idx %arg14[%add3A_181] : memref<16064xf32, #tpu.memory_space<vmem>>[vector<16xi32>], vector<16xf32>,
      tpu.vector_store_idx %arg13[%add3A_64, %broadcast_in_dim3A_174], %gather3A_182 : memref<512x16xf32, #tpu.memory_space<vmem>>[vector<16xi32>, vector<16xi32>], vector<16xf32>,
      %broadcast_in_dim3A_183 = arith.constant 12 : i32
      %broadcast_in_dim3A_184 = vector.broadcast %broadcast_in_dim3A_183 : i32 to vector<16xi32>
      %add3A_185 = arith.constant 12 : i32
      %add3A_186 = vector.broadcast %add3A_185 : i32 to vector<16xi32>
      %add3A_187 = arith.addi %mul3A_56, %add3A_186 : vector<16xi32>
      %gather3A_188 = tpu.vector_load_idx %arg14[%add3A_187] : memref<16064xf32, #tpu.memory_space<vmem>>[vector<16xi32>], vector<16xf32>,
      tpu.vector_store_idx %arg12[%add3A_64, %broadcast_in_dim3A_184], %gather3A_188 : memref<512x16xf32, #tpu.memory_space<vmem>>[vector<16xi32>, vector<16xi32>], vector<16xf32>,
      %add3A_189 = arith.constant 12 : i32
      %add3A_190 = vector.broadcast %add3A_189 : i32 to vector<16xi32>
      %add3A_191 = arith.addi %add3A_62, %add3A_190 : vector<16xi32>
      %gather3A_192 = tpu.vector_load_idx %arg14[%add3A_191] : memref<16064xf32, #tpu.memory_space<vmem>>[vector<16xi32>], vector<16xf32>,
      tpu.vector_store_idx %arg13[%add3A_64, %broadcast_in_dim3A_184], %gather3A_192 : memref<512x16xf32, #tpu.memory_space<vmem>>[vector<16xi32>, vector<16xi32>], vector<16xf32>,
      %broadcast_in_dim3A_193 = arith.constant 13 : i32
      %broadcast_in_dim3A_194 = vector.broadcast %broadcast_in_dim3A_193 : i32 to vector<16xi32>
      %add3A_195 = arith.constant 13 : i32
      %add3A_196 = vector.broadcast %add3A_195 : i32 to vector<16xi32>
      %add3A_197 = arith.addi %mul3A_56, %add3A_196 : vector<16xi32>
      %gather3A_198 = tpu.vector_load_idx %arg14[%add3A_197] : memref<16064xf32, #tpu.memory_space<vmem>>[vector<16xi32>], vector<16xf32>,
      tpu.vector_store_idx %arg12[%add3A_64, %broadcast_in_dim3A_194], %gather3A_198 : memref<512x16xf32, #tpu.memory_space<vmem>>[vector<16xi32>, vector<16xi32>], vector<16xf32>,
      %add3A_199 = arith.constant 13 : i32
      %add3A_200 = vector.broadcast %add3A_199 : i32 to vector<16xi32>
      %add3A_201 = arith.addi %add3A_62, %add3A_200 : vector<16xi32>
      %gather3A_202 = tpu.vector_load_idx %arg14[%add3A_201] : memref<16064xf32, #tpu.memory_space<vmem>>[vector<16xi32>], vector<16xf32>,
      tpu.vector_store_idx %arg13[%add3A_64, %broadcast_in_dim3A_194], %gather3A_202 : memref<512x16xf32, #tpu.memory_space<vmem>>[vector<16xi32>, vector<16xi32>], vector<16xf32>,
      %broadcast_in_dim3A_203 = arith.constant 14 : i32
      %broadcast_in_dim3A_204 = vector.broadcast %broadcast_in_dim3A_203 : i32 to vector<16xi32>
      %add3A_205 = arith.constant 14 : i32
      %add3A_206 = vector.broadcast %add3A_205 : i32 to vector<16xi32>
      %add3A_207 = arith.addi %mul3A_56, %add3A_206 : vector<16xi32>
      %gather3A_208 = tpu.vector_load_idx %arg14[%add3A_207] : memref<16064xf32, #tpu.memory_space<vmem>>[vector<16xi32>], vector<16xf32>,
      tpu.vector_store_idx %arg12[%add3A_64, %broadcast_in_dim3A_204], %gather3A_208 : memref<512x16xf32, #tpu.memory_space<vmem>>[vector<16xi32>, vector<16xi32>], vector<16xf32>,
      %add3A_209 = arith.constant 14 : i32
      %add3A_210 = vector.broadcast %add3A_209 : i32 to vector<16xi32>
      %add3A_211 = arith.addi %add3A_62, %add3A_210 : vector<16xi32>
      %gather3A_212 = tpu.vector_load_idx %arg14[%add3A_211] : memref<16064xf32, #tpu.memory_space<vmem>>[vector<16xi32>], vector<16xf32>,
      tpu.vector_store_idx %arg13[%add3A_64, %broadcast_in_dim3A_204], %gather3A_212 : memref<512x16xf32, #tpu.memory_space<vmem>>[vector<16xi32>, vector<16xi32>], vector<16xf32>,
      %broadcast_in_dim3A_213 = arith.constant 15 : i32
      %broadcast_in_dim3A_214 = vector.broadcast %broadcast_in_dim3A_213 : i32 to vector<16xi32>
      %add3A_215 = arith.constant 15 : i32
      %add3A_216 = vector.broadcast %add3A_215 : i32 to vector<16xi32>
      %add3A_217 = arith.addi %mul3A_56, %add3A_216 : vector<16xi32>
      %gather3A_218 = tpu.vector_load_idx %arg14[%add3A_217] : memref<16064xf32, #tpu.memory_space<vmem>>[vector<16xi32>], vector<16xf32>,
      tpu.vector_store_idx %arg12[%add3A_64, %broadcast_in_dim3A_214], %gather3A_218 : memref<512x16xf32, #tpu.memory_space<vmem>>[vector<16xi32>, vector<16xi32>], vector<16xf32>,
      %add3A_219 = arith.constant 15 : i32
      %add3A_220 = vector.broadcast %add3A_219 : i32 to vector<16xi32>
      %add3A_221 = arith.addi %add3A_62, %add3A_220 : vector<16xi32>
      %gather3A_222 = tpu.vector_load_idx %arg14[%add3A_221] : memref<16064xf32, #tpu.memory_space<vmem>>[vector<16xi32>], vector<16xf32>,
      tpu.vector_store_idx %arg13[%add3A_64, %broadcast_in_dim3A_214], %gather3A_222 : memref<512x16xf32, #tpu.memory_space<vmem>>[vector<16xi32>, vector<16xi32>], vector<16xf32>,
      %scan3A_223 = arith.constant 1 : i32
      %scan3A_224 = arith.addi %scan3A_48, %scan3A_223 : i32
      %mul3A_225 = arith.constant 16 : i32
      %mul3A_226 = arith.muli %scan3A_224, %mul3A_225 : i32
      %get3A_227 = arith.index_cast %mul3A_226 : i32 to index
      %get3A_228 = tpu.vector_load %arg9[%get3A_227] {strides = array<i32>} : memref<512xi32, #tpu.memory_space<vmem>>, vector<16xi32>,
      %get3A_229 = arith.index_cast %mul3A_226 : i32 to index
      %get3A_230 = tpu.vector_load %arg10[%get3A_229] {strides = array<i32>} : memref<512xi32, #tpu.memory_space<vmem>>, vector<16xi32>,
      %mul3A_231 = arith.constant 16 : i32
      %mul3A_232 = vector.broadcast %mul3A_231 : i32 to vector<16xi32>
      %mul3A_233 = arith.muli %get3A_228, %mul3A_232 : vector<16xi32>
      %mul3A_234 = arith.constant 16 : i32
      %mul3A_235 = vector.broadcast %mul3A_234 : i32 to vector<16xi32>
      %mul3A_236 = arith.muli %get3A_230, %mul3A_235 : vector<16xi32>
      %add3A_237 = arith.constant 16000 : i32
      %add3A_238 = vector.broadcast %add3A_237 : i32 to vector<16xi32>
      %add3A_239 = arith.addi %mul3A_236, %add3A_238 : vector<16xi32>
      %add3A_240 = vector.broadcast %mul3A_226 : i32 to vector<16xi32>
      %add3A_241 = arith.addi %add3A_240, %iota3A : vector<16xi32>
      %broadcast_in_dim3A_242 = arith.constant 0 : i32
      %broadcast_in_dim3A_243 = vector.broadcast %broadcast_in_dim3A_242 : i32 to vector<16xi32>
      %add3A_244 = arith.constant 0 : i32
      %add3A_245 = vector.broadcast %add3A_244 : i32 to vector<16xi32>
      %add3A_246 = arith.addi %mul3A_233, %add3A_245 : vector<16xi32>
      %gather3A_247 = tpu.vector_load_idx %arg14[%add3A_246] : memref<16064xf32, #tpu.memory_space<vmem>>[vector<16xi32>], vector<16xf32>,
      tpu.vector_store_idx %arg12[%add3A_241, %broadcast_in_dim3A_243], %gather3A_247 : memref<512x16xf32, #tpu.memory_space<vmem>>[vector<16xi32>, vector<16xi32>], vector<16xf32>,
      %add3A_248 = arith.constant 0 : i32
      %add3A_249 = vector.broadcast %add3A_248 : i32 to vector<16xi32>
      %add3A_250 = arith.addi %add3A_239, %add3A_249 : vector<16xi32>
      %gather3A_251 = tpu.vector_load_idx %arg14[%add3A_250] : memref<16064xf32, #tpu.memory_space<vmem>>[vector<16xi32>], vector<16xf32>,
      tpu.vector_store_idx %arg13[%add3A_241, %broadcast_in_dim3A_243], %gather3A_251 : memref<512x16xf32, #tpu.memory_space<vmem>>[vector<16xi32>, vector<16xi32>], vector<16xf32>,
      %broadcast_in_dim3A_252 = arith.constant 1 : i32
      %broadcast_in_dim3A_253 = vector.broadcast %broadcast_in_dim3A_252 : i32 to vector<16xi32>
      %add3A_254 = arith.constant 1 : i32
      %add3A_255 = vector.broadcast %add3A_254 : i32 to vector<16xi32>
      %add3A_256 = arith.addi %mul3A_233, %add3A_255 : vector<16xi32>
      %gather3A_257 = tpu.vector_load_idx %arg14[%add3A_256] : memref<16064xf32, #tpu.memory_space<vmem>>[vector<16xi32>], vector<16xf32>,
      tpu.vector_store_idx %arg12[%add3A_241, %broadcast_in_dim3A_253], %gather3A_257 : memref<512x16xf32, #tpu.memory_space<vmem>>[vector<16xi32>, vector<16xi32>], vector<16xf32>,
      %add3A_258 = arith.constant 1 : i32
      %add3A_259 = vector.broadcast %add3A_258 : i32 to vector<16xi32>
      %add3A_260 = arith.addi %add3A_239, %add3A_259 : vector<16xi32>
      %gather3A_261 = tpu.vector_load_idx %arg14[%add3A_260] : memref<16064xf32, #tpu.memory_space<vmem>>[vector<16xi32>], vector<16xf32>,
      tpu.vector_store_idx %arg13[%add3A_241, %broadcast_in_dim3A_253], %gather3A_261 : memref<512x16xf32, #tpu.memory_space<vmem>>[vector<16xi32>, vector<16xi32>], vector<16xf32>,
      %broadcast_in_dim3A_262 = arith.constant 2 : i32
      %broadcast_in_dim3A_263 = vector.broadcast %broadcast_in_dim3A_262 : i32 to vector<16xi32>
      %add3A_264 = arith.constant 2 : i32
      %add3A_265 = vector.broadcast %add3A_264 : i32 to vector<16xi32>
      %add3A_266 = arith.addi %mul3A_233, %add3A_265 : vector<16xi32>
      %gather3A_267 = tpu.vector_load_idx %arg14[%add3A_266] : memref<16064xf32, #tpu.memory_space<vmem>>[vector<16xi32>], vector<16xf32>,
      tpu.vector_store_idx %arg12[%add3A_241, %broadcast_in_dim3A_263], %gather3A_267 : memref<512x16xf32, #tpu.memory_space<vmem>>[vector<16xi32>, vector<16xi32>], vector<16xf32>,
      %add3A_268 = arith.constant 2 : i32
      %add3A_269 = vector.broadcast %add3A_268 : i32 to vector<16xi32>
      %add3A_270 = arith.addi %add3A_239, %add3A_269 : vector<16xi32>
      %gather3A_271 = tpu.vector_load_idx %arg14[%add3A_270] : memref<16064xf32, #tpu.memory_space<vmem>>[vector<16xi32>], vector<16xf32>,
      tpu.vector_store_idx %arg13[%add3A_241, %broadcast_in_dim3A_263], %gather3A_271 : memref<512x16xf32, #tpu.memory_space<vmem>>[vector<16xi32>, vector<16xi32>], vector<16xf32>,
      %broadcast_in_dim3A_272 = arith.constant 3 : i32
      %broadcast_in_dim3A_273 = vector.broadcast %broadcast_in_dim3A_272 : i32 to vector<16xi32>
      %add3A_274 = arith.constant 3 : i32
      %add3A_275 = vector.broadcast %add3A_274 : i32 to vector<16xi32>
      %add3A_276 = arith.addi %mul3A_233, %add3A_275 : vector<16xi32>
      %gather3A_277 = tpu.vector_load_idx %arg14[%add3A_276] : memref<16064xf32, #tpu.memory_space<vmem>>[vector<16xi32>], vector<16xf32>,
      tpu.vector_store_idx %arg12[%add3A_241, %broadcast_in_dim3A_273], %gather3A_277 : memref<512x16xf32, #tpu.memory_space<vmem>>[vector<16xi32>, vector<16xi32>], vector<16xf32>,
      %add3A_278 = arith.constant 3 : i32
      %add3A_279 = vector.broadcast %add3A_278 : i32 to vector<16xi32>
      %add3A_280 = arith.addi %add3A_239, %add3A_279 : vector<16xi32>
      %gather3A_281 = tpu.vector_load_idx %arg14[%add3A_280] : memref<16064xf32, #tpu.memory_space<vmem>>[vector<16xi32>], vector<16xf32>,
      tpu.vector_store_idx %arg13[%add3A_241, %broadcast_in_dim3A_273], %gather3A_281 : memref<512x16xf32, #tpu.memory_space<vmem>>[vector<16xi32>, vector<16xi32>], vector<16xf32>,
      %broadcast_in_dim3A_282 = arith.constant 4 : i32
      %broadcast_in_dim3A_283 = vector.broadcast %broadcast_in_dim3A_282 : i32 to vector<16xi32>
      %add3A_284 = arith.constant 4 : i32
      %add3A_285 = vector.broadcast %add3A_284 : i32 to vector<16xi32>
      %add3A_286 = arith.addi %mul3A_233, %add3A_285 : vector<16xi32>
      %gather3A_287 = tpu.vector_load_idx %arg14[%add3A_286] : memref<16064xf32, #tpu.memory_space<vmem>>[vector<16xi32>], vector<16xf32>,
      tpu.vector_store_idx %arg12[%add3A_241, %broadcast_in_dim3A_283], %gather3A_287 : memref<512x16xf32, #tpu.memory_space<vmem>>[vector<16xi32>, vector<16xi32>], vector<16xf32>,
      %add3A_288 = arith.constant 4 : i32
      %add3A_289 = vector.broadcast %add3A_288 : i32 to vector<16xi32>
      %add3A_290 = arith.addi %add3A_239, %add3A_289 : vector<16xi32>
      %gather3A_291 = tpu.vector_load_idx %arg14[%add3A_290] : memref<16064xf32, #tpu.memory_space<vmem>>[vector<16xi32>], vector<16xf32>,
      tpu.vector_store_idx %arg13[%add3A_241, %broadcast_in_dim3A_283], %gather3A_291 : memref<512x16xf32, #tpu.memory_space<vmem>>[vector<16xi32>, vector<16xi32>], vector<16xf32>,
      %broadcast_in_dim3A_292 = arith.constant 5 : i32
      %broadcast_in_dim3A_293 = vector.broadcast %broadcast_in_dim3A_292 : i32 to vector<16xi32>
      %add3A_294 = arith.constant 5 : i32
      %add3A_295 = vector.broadcast %add3A_294 : i32 to vector<16xi32>
      %add3A_296 = arith.addi %mul3A_233, %add3A_295 : vector<16xi32>
      %gather3A_297 = tpu.vector_load_idx %arg14[%add3A_296] : memref<16064xf32, #tpu.memory_space<vmem>>[vector<16xi32>], vector<16xf32>,
      tpu.vector_store_idx %arg12[%add3A_241, %broadcast_in_dim3A_293], %gather3A_297 : memref<512x16xf32, #tpu.memory_space<vmem>>[vector<16xi32>, vector<16xi32>], vector<16xf32>,
      %add3A_298 = arith.constant 5 : i32
      %add3A_299 = vector.broadcast %add3A_298 : i32 to vector<16xi32>
      %add3A_300 = arith.addi %add3A_239, %add3A_299 : vector<16xi32>
      %gather3A_301 = tpu.vector_load_idx %arg14[%add3A_300] : memref<16064xf32, #tpu.memory_space<vmem>>[vector<16xi32>], vector<16xf32>,
      tpu.vector_store_idx %arg13[%add3A_241, %broadcast_in_dim3A_293], %gather3A_301 : memref<512x16xf32, #tpu.memory_space<vmem>>[vector<16xi32>, vector<16xi32>], vector<16xf32>,
      %broadcast_in_dim3A_302 = arith.constant 6 : i32
      %broadcast_in_dim3A_303 = vector.broadcast %broadcast_in_dim3A_302 : i32 to vector<16xi32>
      %add3A_304 = arith.constant 6 : i32
      %add3A_305 = vector.broadcast %add3A_304 : i32 to vector<16xi32>
      %add3A_306 = arith.addi %mul3A_233, %add3A_305 : vector<16xi32>
      %gather3A_307 = tpu.vector_load_idx %arg14[%add3A_306] : memref<16064xf32, #tpu.memory_space<vmem>>[vector<16xi32>], vector<16xf32>,
      tpu.vector_store_idx %arg12[%add3A_241, %broadcast_in_dim3A_303], %gather3A_307 : memref<512x16xf32, #tpu.memory_space<vmem>>[vector<16xi32>, vector<16xi32>], vector<16xf32>,
      %add3A_308 = arith.constant 6 : i32
      %add3A_309 = vector.broadcast %add3A_308 : i32 to vector<16xi32>
      %add3A_310 = arith.addi %add3A_239, %add3A_309 : vector<16xi32>
      %gather3A_311 = tpu.vector_load_idx %arg14[%add3A_310] : memref<16064xf32, #tpu.memory_space<vmem>>[vector<16xi32>], vector<16xf32>,
      tpu.vector_store_idx %arg13[%add3A_241, %broadcast_in_dim3A_303], %gather3A_311 : memref<512x16xf32, #tpu.memory_space<vmem>>[vector<16xi32>, vector<16xi32>], vector<16xf32>,
      %broadcast_in_dim3A_312 = arith.constant 7 : i32
      %broadcast_in_dim3A_313 = vector.broadcast %broadcast_in_dim3A_312 : i32 to vector<16xi32>
      %add3A_314 = arith.constant 7 : i32
      %add3A_315 = vector.broadcast %add3A_314 : i32 to vector<16xi32>
      %add3A_316 = arith.addi %mul3A_233, %add3A_315 : vector<16xi32>
      %gather3A_317 = tpu.vector_load_idx %arg14[%add3A_316] : memref<16064xf32, #tpu.memory_space<vmem>>[vector<16xi32>], vector<16xf32>,
      tpu.vector_store_idx %arg12[%add3A_241, %broadcast_in_dim3A_313], %gather3A_317 : memref<512x16xf32, #tpu.memory_space<vmem>>[vector<16xi32>, vector<16xi32>], vector<16xf32>,
      %add3A_318 = arith.constant 7 : i32
      %add3A_319 = vector.broadcast %add3A_318 : i32 to vector<16xi32>
      %add3A_320 = arith.addi %add3A_239, %add3A_319 : vector<16xi32>
      %gather3A_321 = tpu.vector_load_idx %arg14[%add3A_320] : memref<16064xf32, #tpu.memory_space<vmem>>[vector<16xi32>], vector<16xf32>,
      tpu.vector_store_idx %arg13[%add3A_241, %broadcast_in_dim3A_313], %gather3A_321 : memref<512x16xf32, #tpu.memory_space<vmem>>[vector<16xi32>, vector<16xi32>], vector<16xf32>,
      %broadcast_in_dim3A_322 = arith.constant 8 : i32
      %broadcast_in_dim3A_323 = vector.broadcast %broadcast_in_dim3A_322 : i32 to vector<16xi32>
      %add3A_324 = arith.constant 8 : i32
      %add3A_325 = vector.broadcast %add3A_324 : i32 to vector<16xi32>
      %add3A_326 = arith.addi %mul3A_233, %add3A_325 : vector<16xi32>
      %gather3A_327 = tpu.vector_load_idx %arg14[%add3A_326] : memref<16064xf32, #tpu.memory_space<vmem>>[vector<16xi32>], vector<16xf32>,
      tpu.vector_store_idx %arg12[%add3A_241, %broadcast_in_dim3A_323], %gather3A_327 : memref<512x16xf32, #tpu.memory_space<vmem>>[vector<16xi32>, vector<16xi32>], vector<16xf32>,
      %add3A_328 = arith.constant 8 : i32
      %add3A_329 = vector.broadcast %add3A_328 : i32 to vector<16xi32>
      %add3A_330 = arith.addi %add3A_239, %add3A_329 : vector<16xi32>
      %gather3A_331 = tpu.vector_load_idx %arg14[%add3A_330] : memref<16064xf32, #tpu.memory_space<vmem>>[vector<16xi32>], vector<16xf32>,
      tpu.vector_store_idx %arg13[%add3A_241, %broadcast_in_dim3A_323], %gather3A_331 : memref<512x16xf32, #tpu.memory_space<vmem>>[vector<16xi32>, vector<16xi32>], vector<16xf32>,
      %broadcast_in_dim3A_332 = arith.constant 9 : i32
      %broadcast_in_dim3A_333 = vector.broadcast %broadcast_in_dim3A_332 : i32 to vector<16xi32>
      %add3A_334 = arith.constant 9 : i32
      %add3A_335 = vector.broadcast %add3A_334 : i32 to vector<16xi32>
      %add3A_336 = arith.addi %mul3A_233, %add3A_335 : vector<16xi32>
      %gather3A_337 = tpu.vector_load_idx %arg14[%add3A_336] : memref<16064xf32, #tpu.memory_space<vmem>>[vector<16xi32>], vector<16xf32>,
      tpu.vector_store_idx %arg12[%add3A_241, %broadcast_in_dim3A_333], %gather3A_337 : memref<512x16xf32, #tpu.memory_space<vmem>>[vector<16xi32>, vector<16xi32>], vector<16xf32>,
      %add3A_338 = arith.constant 9 : i32
      %add3A_339 = vector.broadcast %add3A_338 : i32 to vector<16xi32>
      %add3A_340 = arith.addi %add3A_239, %add3A_339 : vector<16xi32>
      %gather3A_341 = tpu.vector_load_idx %arg14[%add3A_340] : memref<16064xf32, #tpu.memory_space<vmem>>[vector<16xi32>], vector<16xf32>,
      tpu.vector_store_idx %arg13[%add3A_241, %broadcast_in_dim3A_333], %gather3A_341 : memref<512x16xf32, #tpu.memory_space<vmem>>[vector<16xi32>, vector<16xi32>], vector<16xf32>,
      %broadcast_in_dim3A_342 = arith.constant 10 : i32
      %broadcast_in_dim3A_343 = vector.broadcast %broadcast_in_dim3A_342 : i32 to vector<16xi32>
      %add3A_344 = arith.constant 10 : i32
      %add3A_345 = vector.broadcast %add3A_344 : i32 to vector<16xi32>
      %add3A_346 = arith.addi %mul3A_233, %add3A_345 : vector<16xi32>
      %gather3A_347 = tpu.vector_load_idx %arg14[%add3A_346] : memref<16064xf32, #tpu.memory_space<vmem>>[vector<16xi32>], vector<16xf32>,
      tpu.vector_store_idx %arg12[%add3A_241, %broadcast_in_dim3A_343], %gather3A_347 : memref<512x16xf32, #tpu.memory_space<vmem>>[vector<16xi32>, vector<16xi32>], vector<16xf32>,
      %add3A_348 = arith.constant 10 : i32
      %add3A_349 = vector.broadcast %add3A_348 : i32 to vector<16xi32>
      %add3A_350 = arith.addi %add3A_239, %add3A_349 : vector<16xi32>
      %gather3A_351 = tpu.vector_load_idx %arg14[%add3A_350] : memref<16064xf32, #tpu.memory_space<vmem>>[vector<16xi32>], vector<16xf32>,
      tpu.vector_store_idx %arg13[%add3A_241, %broadcast_in_dim3A_343], %gather3A_351 : memref<512x16xf32, #tpu.memory_space<vmem>>[vector<16xi32>, vector<16xi32>], vector<16xf32>,
      %broadcast_in_dim3A_352 = arith.constant 11 : i32
      %broadcast_in_dim3A_353 = vector.broadcast %broadcast_in_dim3A_352 : i32 to vector<16xi32>
      %add3A_354 = arith.constant 11 : i32
      %add3A_355 = vector.broadcast %add3A_354 : i32 to vector<16xi32>
      %add3A_356 = arith.addi %mul3A_233, %add3A_355 : vector<16xi32>
      %gather3A_357 = tpu.vector_load_idx %arg14[%add3A_356] : memref<16064xf32, #tpu.memory_space<vmem>>[vector<16xi32>], vector<16xf32>,
      tpu.vector_store_idx %arg12[%add3A_241, %broadcast_in_dim3A_353], %gather3A_357 : memref<512x16xf32, #tpu.memory_space<vmem>>[vector<16xi32>, vector<16xi32>], vector<16xf32>,
      %add3A_358 = arith.constant 11 : i32
      %add3A_359 = vector.broadcast %add3A_358 : i32 to vector<16xi32>
      %add3A_360 = arith.addi %add3A_239, %add3A_359 : vector<16xi32>
      %gather3A_361 = tpu.vector_load_idx %arg14[%add3A_360] : memref<16064xf32, #tpu.memory_space<vmem>>[vector<16xi32>], vector<16xf32>,
      tpu.vector_store_idx %arg13[%add3A_241, %broadcast_in_dim3A_353], %gather3A_361 : memref<512x16xf32, #tpu.memory_space<vmem>>[vector<16xi32>, vector<16xi32>], vector<16xf32>,
      %broadcast_in_dim3A_362 = arith.constant 12 : i32
      %broadcast_in_dim3A_363 = vector.broadcast %broadcast_in_dim3A_362 : i32 to vector<16xi32>
      %add3A_364 = arith.constant 12 : i32
      %add3A_365 = vector.broadcast %add3A_364 : i32 to vector<16xi32>
      %add3A_366 = arith.addi %mul3A_233, %add3A_365 : vector<16xi32>
      %gather3A_367 = tpu.vector_load_idx %arg14[%add3A_366] : memref<16064xf32, #tpu.memory_space<vmem>>[vector<16xi32>], vector<16xf32>,
      tpu.vector_store_idx %arg12[%add3A_241, %broadcast_in_dim3A_363], %gather3A_367 : memref<512x16xf32, #tpu.memory_space<vmem>>[vector<16xi32>, vector<16xi32>], vector<16xf32>,
      %add3A_368 = arith.constant 12 : i32
      %add3A_369 = vector.broadcast %add3A_368 : i32 to vector<16xi32>
      %add3A_370 = arith.addi %add3A_239, %add3A_369 : vector<16xi32>
      %gather3A_371 = tpu.vector_load_idx %arg14[%add3A_370] : memref<16064xf32, #tpu.memory_space<vmem>>[vector<16xi32>], vector<16xf32>,
      tpu.vector_store_idx %arg13[%add3A_241, %broadcast_in_dim3A_363], %gather3A_371 : memref<512x16xf32, #tpu.memory_space<vmem>>[vector<16xi32>, vector<16xi32>], vector<16xf32>,
      %broadcast_in_dim3A_372 = arith.constant 13 : i32
      %broadcast_in_dim3A_373 = vector.broadcast %broadcast_in_dim3A_372 : i32 to vector<16xi32>
      %add3A_374 = arith.constant 13 : i32
      %add3A_375 = vector.broadcast %add3A_374 : i32 to vector<16xi32>
      %add3A_376 = arith.addi %mul3A_233, %add3A_375 : vector<16xi32>
      %gather3A_377 = tpu.vector_load_idx %arg14[%add3A_376] : memref<16064xf32, #tpu.memory_space<vmem>>[vector<16xi32>], vector<16xf32>,
      tpu.vector_store_idx %arg12[%add3A_241, %broadcast_in_dim3A_373], %gather3A_377 : memref<512x16xf32, #tpu.memory_space<vmem>>[vector<16xi32>, vector<16xi32>], vector<16xf32>,
      %add3A_378 = arith.constant 13 : i32
      %add3A_379 = vector.broadcast %add3A_378 : i32 to vector<16xi32>
      %add3A_380 = arith.addi %add3A_239, %add3A_379 : vector<16xi32>
      %gather3A_381 = tpu.vector_load_idx %arg14[%add3A_380] : memref<16064xf32, #tpu.memory_space<vmem>>[vector<16xi32>], vector<16xf32>,
      tpu.vector_store_idx %arg13[%add3A_241, %broadcast_in_dim3A_373], %gather3A_381 : memref<512x16xf32, #tpu.memory_space<vmem>>[vector<16xi32>, vector<16xi32>], vector<16xf32>,
      %broadcast_in_dim3A_382 = arith.constant 14 : i32
      %broadcast_in_dim3A_383 = vector.broadcast %broadcast_in_dim3A_382 : i32 to vector<16xi32>
      %add3A_384 = arith.constant 14 : i32
      %add3A_385 = vector.broadcast %add3A_384 : i32 to vector<16xi32>
      %add3A_386 = arith.addi %mul3A_233, %add3A_385 : vector<16xi32>
      %gather3A_387 = tpu.vector_load_idx %arg14[%add3A_386] : memref<16064xf32, #tpu.memory_space<vmem>>[vector<16xi32>], vector<16xf32>,
      tpu.vector_store_idx %arg12[%add3A_241, %broadcast_in_dim3A_383], %gather3A_387 : memref<512x16xf32, #tpu.memory_space<vmem>>[vector<16xi32>, vector<16xi32>], vector<16xf32>,
      %add3A_388 = arith.constant 14 : i32
      %add3A_389 = vector.broadcast %add3A_388 : i32 to vector<16xi32>
      %add3A_390 = arith.addi %add3A_239, %add3A_389 : vector<16xi32>
      %gather3A_391 = tpu.vector_load_idx %arg14[%add3A_390] : memref<16064xf32, #tpu.memory_space<vmem>>[vector<16xi32>], vector<16xf32>,
      tpu.vector_store_idx %arg13[%add3A_241, %broadcast_in_dim3A_383], %gather3A_391 : memref<512x16xf32, #tpu.memory_space<vmem>>[vector<16xi32>, vector<16xi32>], vector<16xf32>,
      %broadcast_in_dim3A_392 = arith.constant 15 : i32
      %broadcast_in_dim3A_393 = vector.broadcast %broadcast_in_dim3A_392 : i32 to vector<16xi32>
      %add3A_394 = arith.constant 15 : i32
      %add3A_395 = vector.broadcast %add3A_394 : i32 to vector<16xi32>
      %add3A_396 = arith.addi %mul3A_233, %add3A_395 : vector<16xi32>
      %gather3A_397 = tpu.vector_load_idx %arg14[%add3A_396] : memref<16064xf32, #tpu.memory_space<vmem>>[vector<16xi32>], vector<16xf32>,
      tpu.vector_store_idx %arg12[%add3A_241, %broadcast_in_dim3A_393], %gather3A_397 : memref<512x16xf32, #tpu.memory_space<vmem>>[vector<16xi32>, vector<16xi32>], vector<16xf32>,
      %add3A_398 = arith.constant 15 : i32
      %add3A_399 = vector.broadcast %add3A_398 : i32 to vector<16xi32>
      %add3A_400 = arith.addi %add3A_239, %add3A_399 : vector<16xi32>
      %gather3A_401 = tpu.vector_load_idx %arg14[%add3A_400] : memref<16064xf32, #tpu.memory_space<vmem>>[vector<16xi32>], vector<16xf32>,
      tpu.vector_store_idx %arg13[%add3A_241, %broadcast_in_dim3A_393], %gather3A_401 : memref<512x16xf32, #tpu.memory_space<vmem>>[vector<16xi32>, vector<16xi32>], vector<16xf32>,
    }
    %scan3A_20 = arith.constant 32 : i32
    %dma_start3A_21 = arith.constant 32 : i32
    %dma_start3A_22 = tpu.memref_slice %arg7[%mul3A_2, %dma_start3A_21] : memref<16384x128xf32, #tpu.memory_space<hbm>> -> memref<512x16xf32, #tpu.memory_space<hbm>>
    %dma_start3A_23 = arith.constant 32 : i32
    %dma_start3A_24 = tpu.memref_slice %arg7[%mul3A_2, %dma_start3A_23] : memref<16384x128xf32, #tpu.memory_space<hbm>> -> memref<512x16xf32, #tpu.memory_space<hbm>>
    tpu.enqueue_dma source(%arg12 : memref<512x16xf32, #tpu.memory_space<vmem>>) target(%dma_start3A_24 : memref<512x16xf32, #tpu.memory_space<hbm>>) target_semaphore(%arg16 : memref<!tpu.dma_semaphore, #tpu.memory_space<semaphore_mem>>)
    %dma_start3A_25 = arith.constant 48 : i32
    %dma_start3A_26 = tpu.memref_slice %arg7[%mul3A_2, %dma_start3A_25] : memref<16384x128xf32, #tpu.memory_space<hbm>> -> memref<512x16xf32, #tpu.memory_space<hbm>>
    %dma_start3A_27 = arith.constant 48 : i32
    %dma_start3A_28 = tpu.memref_slice %arg7[%mul3A_2, %dma_start3A_27] : memref<16384x128xf32, #tpu.memory_space<hbm>> -> memref<512x16xf32, #tpu.memory_space<hbm>>
    tpu.enqueue_dma source(%arg13 : memref<512x16xf32, #tpu.memory_space<vmem>>) target(%dma_start3A_28 : memref<512x16xf32, #tpu.memory_space<hbm>>) target_semaphore(%arg17 : memref<!tpu.dma_semaphore, #tpu.memory_space<semaphore_mem>>)
    %dma_wait3A_29 = arith.constant 0 : i32
    %dma_wait3A_30 = arith.constant 0 : i32
    %dma_wait3A_31 = tpu.memref_slice %arg5[%dma_wait3A_29, %dma_wait3A_30] : memref<100000x32xf32, #tpu.memory_space<hbm>> -> memref<100000x32xf32, #tpu.memory_space<hbm>>
    tpu.wait_indirect_dma semaphore(%arg15 : memref<!tpu.dma_semaphore, #tpu.memory_space<semaphore_mem>>) src(%dma_wait3A_31 : memref<100000x32xf32, #tpu.memory_space<hbm>>) dst(%arg11 : memref<512x32xf32, #tpu.memory_space<vmem>>)
    %dma_start3A_32 = arith.constant 0 : i32
    %dma_start3A_33 = tpu.memref_slice %arg7[%mul3A_2, %dma_start3A_32] : memref<16384x128xf32, #tpu.memory_space<hbm>> -> memref<512x32xf32, #tpu.memory_space<hbm>>
    %dma_start3A_34 = arith.constant 0 : i32
    %dma_start3A_35 = tpu.memref_slice %arg7[%mul3A_2, %dma_start3A_34] : memref<16384x128xf32, #tpu.memory_space<hbm>> -> memref<512x32xf32, #tpu.memory_space<hbm>>
    tpu.enqueue_dma source(%arg11 : memref<512x32xf32, #tpu.memory_space<vmem>>) target(%dma_start3A_35 : memref<512x32xf32, #tpu.memory_space<hbm>>) target_semaphore(%arg15 : memref<!tpu.dma_semaphore, #tpu.memory_space<semaphore_mem>>)
    %dma_wait3A_36 = arith.constant 0 : i32
    %dma_wait3A_37 = tpu.memref_slice %arg7[%mul3A_2, %dma_wait3A_36] : memref<16384x128xf32, #tpu.memory_space<hbm>> -> memref<512x32xf32, #tpu.memory_space<hbm>>
    %dma_wait3A_38 = arith.constant 0 : i32
    %dma_wait3A_39 = tpu.memref_slice %arg7[%mul3A_2, %dma_wait3A_38] : memref<16384x128xf32, #tpu.memory_space<hbm>> -> memref<512x32xf32, #tpu.memory_space<hbm>>
    tpu.wait_dma2 semaphore(%arg15 : memref<!tpu.dma_semaphore, #tpu.memory_space<semaphore_mem>>) src(%arg11 : memref<512x32xf32, #tpu.memory_space<vmem>>) dst(%dma_wait3A_39 : memref<512x32xf32, #tpu.memory_space<hbm>>)
    %dma_wait3A_40 = arith.constant 32 : i32
    %dma_wait3A_41 = tpu.memref_slice %arg7[%mul3A_2, %dma_wait3A_40] : memref<16384x128xf32, #tpu.memory_space<hbm>> -> memref<512x16xf32, #tpu.memory_space<hbm>>
    %dma_wait3A_42 = arith.constant 32 : i32
    %dma_wait3A_43 = tpu.memref_slice %arg7[%mul3A_2, %dma_wait3A_42] : memref<16384x128xf32, #tpu.memory_space<hbm>> -> memref<512x16xf32, #tpu.memory_space<hbm>>
    tpu.wait_dma2 semaphore(%arg16 : memref<!tpu.dma_semaphore, #tpu.memory_space<semaphore_mem>>) src(%arg12 : memref<512x16xf32, #tpu.memory_space<vmem>>) dst(%dma_wait3A_43 : memref<512x16xf32, #tpu.memory_space<hbm>>)
    %dma_wait3A_44 = arith.constant 48 : i32
    %dma_wait3A_45 = tpu.memref_slice %arg7[%mul3A_2, %dma_wait3A_44] : memref<16384x128xf32, #tpu.memory_space<hbm>> -> memref<512x16xf32, #tpu.memory_space<hbm>>
    %dma_wait3A_46 = arith.constant 48 : i32
    %dma_wait3A_47 = tpu.memref_slice %arg7[%mul3A_2, %dma_wait3A_46] : memref<16384x128xf32, #tpu.memory_space<hbm>> -> memref<512x16xf32, #tpu.memory_space<hbm>>
    tpu.wait_dma2 semaphore(%arg17 : memref<!tpu.dma_semaphore, #tpu.memory_space<semaphore_mem>>) src(%arg13 : memref<512x16xf32, #tpu.memory_space<vmem>>) dst(%dma_wait3A_47 : memref<512x16xf32, #tpu.memory_space<hbm>>)
    return
  }
}

module attributes {stable_mosaic.version = 14 : i64} {
  func.func @body(%arg0: i32, %arg1: memref<8192x128xf32, #tpu.memory_space<vmem>>, %arg2: memref<8192x8xf32, #tpu.memory_space<vmem>>, %arg3: memref<8192x1xf32, #tpu.memory_space<vmem>>, %arg4: memref<80x1024xbf16, #tpu.memory_space<vmem>>, %arg5: memref<1x1024xf32, #tpu.memory_space<vmem>>, %arg6: memref<1024x128xbf16, #tpu.memory_space<vmem>>, %arg7: memref<1x128xf32, #tpu.memory_space<vmem>>, %arg8: memref<8192x128xf32, #tpu.memory_space<vmem>>) attributes {dimension_semantics = [#tpu.dimension_semantics<arbitrary>], iteration_bounds = array<i64: 2>, scalar_prefetch = 0 : i64, scratch_operands = 0 : i64, tpu.core_type = #tpu.core_type<tc>, window_params = [{transform_indices = @transform_0, window_bounds = array<i64: 8192, 128>}, {transform_indices = @transform_1, window_bounds = array<i64: 8192, 8>}, {transform_indices = @transform_2, window_bounds = array<i64: 8192, 1>}, {pipeline_mode = #tpu.pipeline_mode<synchronous>, transform_indices = @transform_3, window_bounds = array<i64: 80, 1024>}, {pipeline_mode = #tpu.pipeline_mode<synchronous>, transform_indices = @transform_4, window_bounds = array<i64: 1, 1024>}, {pipeline_mode = #tpu.pipeline_mode<synchronous>, transform_indices = @transform_5, window_bounds = array<i64: 1024, 128>}, {pipeline_mode = #tpu.pipeline_mode<synchronous>, transform_indices = @transform_6, window_bounds = array<i64: 1, 128>}, {transform_indices = @transform_7, window_bounds = array<i64: 8192, 128>}]} {
    %broadcast_in_dim3A = arith.constant 0.000000e+00 : bf16
    %broadcast_in_dim3A_0 = vector.broadcast %broadcast_in_dim3A : bf16 to vector<8192x7xbf16>
    %get3A = arith.constant 0 : index
    %get3A_1 = arith.constant 0 : index
    %get3A_2 = vector.load %arg1[%get3A, %get3A_1] : memref<8192x128xf32, #tpu.memory_space<vmem>>, vector<8192x64xf32>
    %convert_element_type3A = arith.truncf %get3A_2 : vector<8192x64xf32> to vector<8192x64xbf16>
    %get3A_3 = arith.constant 0 : index
    %get3A_4 = arith.constant 0 : index
    %get3A_5 = vector.load %arg2[%get3A_3, %get3A_4] : memref<8192x8xf32, #tpu.memory_space<vmem>>, vector<8192x8xf32>
    %convert_element_type3A_6 = arith.truncf %get3A_5 : vector<8192x8xf32> to vector<8192x8xbf16>
    %get3A_7 = arith.constant 0 : index
    %get3A_8 = arith.constant 0 : index
    %get3A_9 = vector.load %arg3[%get3A_7, %get3A_8] : memref<8192x1xf32, #tpu.memory_space<vmem>>, vector<8192x1xf32>
    %convert_element_type3A_10 = arith.truncf %get3A_9 : vector<8192x1xf32> to vector<8192x1xbf16>
    %concatenate3A = tpu.concatenate %convert_element_type3A, %convert_element_type3A_6, %convert_element_type3A_10, %broadcast_in_dim3A_0 in 1 : vector<8192x64xbf16>, vector<8192x8xbf16>, vector<8192x1xbf16>, vector<8192x7xbf16> -> vector<8192x80xbf16>
    %get3A_11 = arith.constant 0 : index
    %get3A_12 = arith.constant 0 : index
    %get3A_13 = vector.load %arg4[%get3A_11, %get3A_12] : memref<80x1024xbf16, #tpu.memory_space<vmem>>, vector<80x1024xbf16>
    %dot_general3A = arith.constant dense<0.000000e+00> : vector<8192x1024xf32>
    %dot_general3A_14 = tpu.matmul %concatenate3A, %get3A_13, %dot_general3A {dimension_numbers = #tpu.dot_dimension_numbers<[1], [0], [0], [1], [0, 0, 1, 1], [], []>, transpose_lhs_hint = false} : vector<8192x80xbf16>, vector<80x1024xbf16>, vector<8192x1024xf32> -> vector<8192x1024xf32>
    %get3A_15 = arith.constant 0 : index
    %get3A_16 = arith.constant 0 : index
    %get3A_17 = vector.load %arg5[%get3A_15, %get3A_16] : memref<1x1024xf32, #tpu.memory_space<vmem>>, vector<1x1024xf32>
    %add3A = vector.broadcast %get3A_17 : vector<1x1024xf32> to vector<8192x1024xf32>
    %add3A_18 = arith.addf %dot_general3A_14, %add3A : vector<8192x1024xf32>
    %max3A = arith.constant 0.000000e+00 : f32
    %max3A_19 = vector.broadcast %max3A : f32 to vector<8192x1024xf32>
    %max3A_20 = arith.maximumf %add3A_18, %max3A_19 : vector<8192x1024xf32>
    %convert_element_type3A_21 = arith.truncf %max3A_20 : vector<8192x1024xf32> to vector<8192x1024xbf16>
    %get3A_22 = arith.constant 0 : index
    %get3A_23 = arith.constant 0 : index
    %get3A_24 = vector.load %arg6[%get3A_22, %get3A_23] : memref<1024x128xbf16, #tpu.memory_space<vmem>>, vector<1024x128xbf16>
    %dot_general3A_25 = arith.constant dense<0.000000e+00> : vector<8192x128xf32>
    %dot_general3A_26 = tpu.matmul %convert_element_type3A_21, %get3A_24, %dot_general3A_25 {dimension_numbers = #tpu.dot_dimension_numbers<[1], [0], [0], [1], [0, 0, 1, 1], [], []>, transpose_lhs_hint = false} : vector<8192x1024xbf16>, vector<1024x128xbf16>, vector<8192x128xf32> -> vector<8192x128xf32>
    %get3A_27 = arith.constant 0 : index
    %get3A_28 = arith.constant 0 : index
    %get3A_29 = vector.load %arg7[%get3A_27, %get3A_28] : memref<1x128xf32, #tpu.memory_space<vmem>>, vector<1x128xf32>
    %add3A_30 = vector.broadcast %get3A_29 : vector<1x128xf32> to vector<8192x128xf32>
    %add3A_31 = arith.addf %dot_general3A_26, %add3A_30 : vector<8192x128xf32>
    %mul3A = arith.mulf %add3A_31, %add3A_31 : vector<8192x128xf32>
    %reduce_sum3A = arith.constant dense<0.000000e+00> : vector<8192xf32>
    %reduce_sum3A_32 = vector.multi_reduction <add>, %mul3A, %reduce_sum3A [1] : vector<8192x128xf32> to vector<8192xf32>
    %broadcast_in_dim3A_33 = vector.shape_cast %reduce_sum3A_32 : vector<8192xf32> to vector<8192x1xf32>
    %sqrt3A = math.sqrt %broadcast_in_dim3A_33 : vector<8192x1xf32>
    %max3A_34 = arith.constant 9.99999996E-13 : f32
    %max3A_35 = vector.broadcast %max3A_34 : f32 to vector<8192x1xf32>
    %max3A_36 = arith.maximumf %sqrt3A, %max3A_35 : vector<8192x1xf32>
    %div3A = vector.broadcast %max3A_36 : vector<8192x1xf32> to vector<8192x128xf32>
    %div3A_37 = arith.divf %add3A_31, %div3A : vector<8192x128xf32>
    %swap3A = arith.constant 0 : index
    %swap3A_38 = arith.constant 0 : index
    %swap3A_39 = vector.load %arg8[%swap3A, %swap3A_38] : memref<8192x128xf32, #tpu.memory_space<vmem>>, vector<8192x128xf32>
    tpu.vector_store %arg8[%swap3A, %swap3A_38], %div3A_37 {strides = array<i32>} : memref<8192x128xf32, #tpu.memory_space<vmem>>, vector<8192x128xf32>,
    return
  }
  func.func @transform_0(%arg0: i32) -> (i32, i32) {
    %c0_i32 = arith.constant 0 : i32
    %c0_i32_0 = arith.constant 0 : i32
    return %arg0, %c0_i32 : i32, i32
  }
  func.func @transform_1(%arg0: i32) -> (i32, i32) {
    %c0_i32 = arith.constant 0 : i32
    %c0_i32_0 = arith.constant 0 : i32
    return %arg0, %c0_i32 : i32, i32
  }
  func.func @transform_2(%arg0: i32) -> (i32, i32) {
    %c0_i32 = arith.constant 0 : i32
    %c0_i32_0 = arith.constant 0 : i32
    return %arg0, %c0_i32 : i32, i32
  }
  func.func @transform_3(%arg0: i32) -> (i32, i32) {
    %c0_i32 = arith.constant 0 : i32
    %c0_i32_0 = arith.constant 0 : i32
    %c0_i32_1 = arith.constant 0 : i32
    return %c0_i32, %c0_i32_0 : i32, i32
  }
  func.func @transform_4(%arg0: i32) -> (i32, i32) {
    %c0_i32 = arith.constant 0 : i32
    %c0_i32_0 = arith.constant 0 : i32
    %c0_i32_1 = arith.constant 0 : i32
    return %c0_i32, %c0_i32_0 : i32, i32
  }
  func.func @transform_5(%arg0: i32) -> (i32, i32) {
    %c0_i32 = arith.constant 0 : i32
    %c0_i32_0 = arith.constant 0 : i32
    %c0_i32_1 = arith.constant 0 : i32
    return %c0_i32, %c0_i32_0 : i32, i32
  }
  func.func @transform_6(%arg0: i32) -> (i32, i32) {
    %c0_i32 = arith.constant 0 : i32
    %c0_i32_0 = arith.constant 0 : i32
    %c0_i32_1 = arith.constant 0 : i32
    return %c0_i32, %c0_i32_0 : i32, i32
  }
  func.func @transform_7(%arg0: i32) -> (i32, i32) {
    %c0_i32 = arith.constant 0 : i32
    %c0_i32_0 = arith.constant 0 : i32
    return %arg0, %c0_i32 : i32, i32
  }
}

</mosaic_0001>

<sc_bundles>
// kernel: kernel.4.cloned.1.call-start
scs
__scs_entry_jumppad:
0x0: {  	(pc) =	sbr.rel $0x88, $3  }
0x1: {  	(tag) =	ssettag $0x0;
	lr =	simm.s32 $0x1  }
0x2: {  	[smem:$0x3F93] =	sst lr;
	_ =	strace $0xD0000000  }
0x3: {  	_ = 	snop  }
0x4: {  	_ = 	snop  }
0x5: {  	_ = 	snop  }
0x6: {  	_ = 	snop  }
0x7: {  	_ = 	snop  }
__scs_overlays_trampoline_lowered:
0x8: {  	[smem:$0x3FA2] =	sst s0  }
0x9: {  	[smem:$0x3FA3] =	sst s1  }
0xa: {  	[smem:$0x3FA4] =	sst s2  }
0xb: {  	[smem:$0x3FA5] =	sst s3  }
0xc: {  	[smem:$0x3FA6] =	sst s4  }
0xd: {  	[smem:$0x3FA7] =	sst s5  }
0xe: {  	[smem:$0x3FA8] =	sst s6  }
0xf: {  	[smem:$0x3FA9] =	sst s7  }
0x10: {  	[smem:$0x3FAA] =	sst s8  }
0x11: {  	[smem:$0x3FAB] =	sst s9;
	s0 =	simm.s32 @!p0 $0x0  }
0x12: {  	s1 =	sld [smem:$0x3F91];
	s0 =	simm.s32 @p0 $0x1  }
0x13: {  	[smem:$0x3FAC] =	sst s0;
	s0 =	simm.s32 @!p1 $0x0  }
0x14: {  	s2 =	sld [smem:$0x3F90];
	s0 =	simm.s32 @p1 $0x1  }
0x15: {  	[smem:$0x3FAD] =	sst s0;
	s0 =	simm.s32 @!p2 $0x0  }
0x16: {  	s3 =	sld [smem:$0x3FDB];
	s0 =	simm.s32 @p2 $0x1  }
0x17: {  	s4 =	simm.s32 $0x1BF5;
	[smem:$0x3FAF] =	sst s0  }
0x18: {  	s0 =	sld [smem:$0x3F92];
	_ =	swait.ge [sflag:s4], $0x0  }
0x19: {  	s7 =	sld [smem:$0x3F93]  }
0x1a: {  	s8 =	sadd.s32 $0xFFFFE003, lr  }
0x1b: {  	s9 =	sadd.s32 $0xFFFFFEF7, lr;
	s5 =	simm.s32 $0xFFFFFFFF;
	p2 =	slt.u32 s8, $0xFFFFF086  }
0x1c: {  	p1 =	slt.u32 s9, $0xF7A;
	s5 =	simm.s32 @!p2 $0x0  }
0x1d: {  	s5 =	simm.s32 @p1 $0x1;
	p0 =	seq.s32 s7, s2  }
0x1e: {  	s7 =	smul.u32 @!p0 $0xF7A, s2;
	p2 =	seq.s32 @!p0 s5, $0x0  }
0x1f: {  	s9 =	smul.u32 $0xF7A, s1;
	s8 =	simm.s32 @!p0 $0x1BF5;
	p2 =	por !p2, p0  }
0x20: {  	[sflag:s8] =	ssyncset.s32 @!p0 $0xFFFFF086;
	s6 =	sadd.s32 @!p0 s3, s7;
	s7 =	simm.s32 @!p0 $0x108  }
0x21: {  	s3 =	sadd.s32 s3, s9;
	s6 =	sadd.s32 @!p0 $0x88, s6;
	s7 =	simm.s32 @p2 $0x1082  }
0x22: {  	[simem:s7], [sflag:s8] =	dma.local @!p0 [hbm:s6], $0xF7A  }
0x23: {  	s9 =	sor.u32 $0xD0000000, s2;
	s6 =	simm.s32 $0x108;
	_ =	swait.ge @!p0 [sflag:s8], $0x0  }
0x24: {  	s3 =	sadd.s32 $0x88, s3;
	s6 =	simm.s32 @!p1 $0x1082;
	[sflag:s4] =	ssyncset.s32 $0xFFFFF086  }
0x25: {  	[simem:s6], [sflag:s4] =	dma.local [hbm:s3], $0xF7A  }
0x26: {  	[smem:$0x3F93] =	sst s1;
	(tag) =	ssettag s2;
	_ =	strace s9  }
0x27: {  	s1 =	sld [smem:$0x3FA3]  }
0x28: {  	s2 =	sld [smem:$0x3FA4]  }
0x29: {  	s4 =	sld [smem:$0x3FA6]  }
0x2a: {  	p0 =	seq.s32 s5, $0x0;
	s5 =	sld [smem:$0x3FA7]  }
0x2b: {  	s6 =	sld [smem:$0x3FA8]  }
0x2c: {  	s7 =	sld [smem:$0x3FA9]  }
0x2d: {  	s3 =	simm.s32 $0x108;
	s8 =	sld [smem:$0x3FAA]  }
0x2e: {  	s3 =	simm.s32 @!p0 $0x1082;
	s9 =	sld [smem:$0x3FAB]  }
0x2f: {  	lr =	sadd.s32 s0, s3;
	s0 =	sld [smem:$0x3FA2]  }
0x30: {  	s3 =	sld [smem:$0x3FA5]  }
0x31: {  	[smem:$0x3FAE] =	sst s10  }
0x32: {  	s10 =	sld [smem:$0x3FAC];
	_ =	sdelay $0x3  }
0x33: {  	p0 =	seq.s32 s10, $0x1;
	s10 =	sld [smem:$0x3FAE];
	_ =	sdelay $0x3  }
0x34: {  	[smem:$0x3FAE] =	sst s10  }
0x35: {  	s10 =	sld [smem:$0x3FAD];
	_ =	sdelay $0x3  }
0x36: {  	p1 =	seq.s32 s10, $0x1;
	s10 =	sld [smem:$0x3FAE];
	_ =	sdelay $0x3  }
0x37: {  	[smem:$0x3FAE] =	sst s10  }
0x38: {  	s10 =	sld [smem:$0x3FAF]  }
0x39: {  	_ = 	snop;
	(pc) =	sbr.ind lr, $3  }
0x3a: {  	_ = 	snop  }
0x3b: {  	_ = 	snop  }
0x3c: {  	p2 =	seq.s32 s10, $0x1;
	s10 =	sld [smem:$0x3FAE]  }
0x3d: {  	_ =	shalt  }
0x3e: {  	_ =	shalt  }
0x3f: {  	_ =	shalt  }
0x40: {  	_ =	shalt  }
0x41: {  	_ =	shalt  }
0x42: {  	_ =	shalt  }
0x43: {  	_ =	shalt  }
0x44: {  	_ =	shalt  }
0x45: {  	_ =	shalt  }
0x46: {  	_ =	shalt  }
0x47: {  	_ =	shalt  }
0x48: {  	_ =	shalt  }
0x49: {  	_ =	shalt  }
0x4a: {  	_ =	shalt  }
0x4b: {  	_ =	shalt  }
0x4c: {  	_ =	shalt  }
0x4d: {  	_ =	shalt  }
0x4e: {  	_ =	shalt  }
0x4f: {  	_ =	shalt  }
0x50: {  	_ =	shalt  }
0x51: {  	_ =	shalt  }
0x52: {  	_ =	shalt  }
0x53: {  	_ =	shalt  }
0x54: {  	_ =	shalt  }
0x55: {  	_ =	shalt  }
0x56: {  	_ =	shalt  }
0x57: {  	_ =	shalt  }
0x58: {  	_ =	shalt  }
0x59: {  	_ =	shalt  }
0x5a: {  	_ =	shalt  }
0x5b: {  	_ =	shalt  }
0x5c: {  	_ =	shalt  }
0x5d: {  	_ =	shalt  }
0x5e: {  	_ =	shalt  }
0x5f: {  	_ =	shalt  }
0x60: {  	_ =	shalt  }
0x61: {  	_ =	shalt  }
0x62: {  	_ =	shalt  }
0x63: {  	_ =	shalt  }
0x64: {  	_ =	shalt  }
0x65: {  	_ =	shalt  }
0x66: {  	_ =	shalt  }
0x67: {  	_ =	shalt  }
0x68: {  	_ =	shalt  }
0x69: {  	_ =	shalt  }
0x6a: {  	_ =	shalt  }
0x6b: {  	_ =	shalt  }
0x6c: {  	_ =	shalt  }
0x6d: {  	_ =	shalt  }
0x6e: {  	_ =	shalt  }
0x6f: {  	_ =	shalt  }
0x70: {  	_ =	shalt  }
0x71: {  	_ =	shalt  }
0x72: {  	_ =	shalt  }
0x73: {  	_ =	shalt  }
0x74: {  	_ =	shalt  }
0x75: {  	_ =	shalt  }
0x76: {  	_ =	shalt  }
0x77: {  	_ =	shalt  }
0x78: {  	_ =	shalt  }
0x79: {  	_ =	shalt  }
0x7a: {  	_ =	shalt  }
0x7b: {  	_ =	shalt  }
0x7c: {  	_ =	shalt  }
0x7d: {  	_ =	shalt  }
0x7e: {  	_ =	shalt  }
0x7f: {  	_ =	shalt  }
0x80: {  	_ =	shalt  }
0x81: {  	_ =	shalt  }
0x82: {  	_ =	shalt  }
0x83: {  	_ =	shalt  }
0x84: {  	_ =	shalt  }
0x85: {  	_ =	shalt  }
0x86: {  	_ =	shalt  }
0x87: {  	_ =	shalt  }
.Lfunc_end0:
.L_simem_size_0:
called_computation_lowered:
.L_overlay_start_0:
0x88: {  	s2 =	sld [smem:$0x3FD9]  }
0x89: {  	s3 =	sld [smem:$0x3FFE];
	_ =	sdelay $0x1  }
0x8a: {  	s1 =	srdreg.scid  }
0x8b: {  	s0 =	sand.u32 $0x1, s1  }
0x8c: {  	s17 =	sshll.u32 s0, $0xA;
	s2 =	sadd.s32 s3, s2  }
0x8d: {  	s2 =	sadd.s32 s2, s17  }
0x8e: {  	[smem:$0x3FBA] =	sst s2  }
0x8f: {  	_ = 	snop  }
0x90: {  	s2 =	sld [smem:$0x3FC9]  }
0x91: {  	s18 =	sld [smem:$0x3FD0];
	(tm) =	ssettm $0x1  }
0x92: {  	s4 =	sld [smem:$0x3FFB];
	_ =	sdelay $0x3  }
0x93: {  	_ =	strace s4  }
0x94: {  	s4 =	sld [smem:$0x3FFC];
	_ =	sdelay $0x3  }
0x95: {  	_ =	strace s4  }
0x96: {  	s4 =	sld [smem:$0x3FFD];
	_ =	sdelay $0x3  }
0x97: {  	_ =	strace s4  }
0x98: {  	_ =	strace $0x8FFFFFFF  }
0x99: {  	s19 =	sld [smem:$0x3FDB];
	_ =	sdelay $0x1  }
0x9a: {  	s5 =	simm.s32 $_scs_section_size  }
0x9b: {  	s6 =	simm.s32 $_size__tile_overlayer_lowered;
	s7 =	simm.s32 $_tile_overlayer_lowered  }
0x9c: {  	s22 =	simm.s32 $0x1BFF;
	s21 =	sshll.u32 s7, $0x1;
	s4 =	sadd.s32 s5, s19  }
0x9d: {  	s8 =	simm.s32 $0x0;
	s20 =	sshll.u32 s6, $0x1;
	s6 =	sadd.s32 s21, s4  }
0x9e: {  	[timem:s8], [sflag:s22] =	dma.local [hbm:s6], s20  }
0x9f: {  	_ =	swait.ge [sflag:s22], s20  }
0xa0: {  	s5 =	ssub.s32 $0x0, s20;
	[sflag:s22] =	ssyncset.done $0x0  }
0xa1: {  	[sflag:s22] =	ssyncadd.s32 s5;
	_ =	sdelay $0x1  }
0xa2: {  	s23 =	simm.s32 $0x1B8B  }
0xa3: {  	_ =	swait.ge [sflag:s23], $0x1  }
0xa4: {  	[sflag:s23] =	ssyncset.done $0x0  }
0xa5: {  	s25 =	simm.s32 $0x1B8E;
	s24 =	sld [smem:$0x3FFE];
	[sflag:s23] =	ssyncadd.s32 $0xFFFFFFFF  }
0xa6: {  	s26 =	simm.s32 $execute0_lowered;
	[smem:$0x3FD2] =	sst s25  }
0xa7: {  	s6 =	sshll.u32 s26, $0x1;
	_ =	strace $0x80000046;
	[dreg:$0x1] =	wrdreg $0xFFFFFFFF  }
0xa8: {  	s28 =	simm.s32 $_size_execute0_lowered;
	s4 =	sadd.s32 s4, s6;
	[dreg:$0x0] =	wrdreg $0x0  }
0xa9: {  	s6 =	sshll.u32 s28, $0x1;
	[dreg:$0x2] =	wrdreg s4  }
0xaa: {  	[dreg:$0x3] =	wrdreg s6  }
0xab: {  	[dreg:$0x4] =	wrdreg $0xC0  }
0xac: {  	_ =	task [dreg:s8], $0x5FFFF  }
0xad: {  	[dreg:$0x1] =	wrdreg $0xFFFFFFFF  }
0xae: {  	[dreg:$0x0] =	wrdreg $0x60  }
0xaf: {  	[dreg:$0x2] =	wrdreg s2  }
0xb0: {  	[dreg:$0x3] =	wrdreg s24  }
0xb1: {  	[dreg:$0x4] =	wrdreg s18  }
0xb2: {  	[dreg:$0x5] =	wrdreg $0x9  }
0xb3: {  	_ =	task.clear_ibuf [dreg:s8], $0x6FFFF;
	_ =	strace $0x90000046  }
0xb4: {  	s29 =	simm.s32 $0x9;
	_ =	strace $0x80000048  }
0xb5: {  	_ =	swait.ge [sflag:s29], $0x1  }
0xb6: {  	[sflag:s29] =	ssyncadd.s32 $0xFFFFFFFF  }
0xb7: {  	_ =	strace $0x90000048  }
0xb8: {  	_ =	sfence  }
0xb9: {  	s30 =	sld [smem:$0x0];
	_ =	sdelay $0x2  }
0xba: {  	s31 =	sshll.u32 s1, $0xD;
	s1 =	sshrl.u32 s1, $0x2  }
0xbb: {  	s3 =	sand.u32 $0x4000, s31;
	s1 =	sadd.s32 s1, s30  }
0xbc: {  	s0 =	sor.u32 s3, s0;
	s1 =	sshll.u32 s1, $0x11  }
0xbd: {  	s0 =	sor.u32 s1, s0  }
0xbe: {  	s0 =	sadd.s32 $0x8F2B, s0  }
0xbf: {  	[sflag:s0] =	ssyncadd.remote.s32 $0x1  }
0xc0: {  	_ =	sfence.sel $0xFFFF  }
0xc1: {  	[dreg:$0x0] =	wrdreg $0xFFFFFFFF;
	(pc) =	sbr.abs _section_cstart, $3  }
0xc2: {  	[dreg:$0x1] =	wrdreg $0xFFFFFFFF  }
0xc3: {  	_ =	task.clear_ibuf [dreg:s8], $0x2FFFF;
	_ =	strace $0x9FFFFFFF  }
0xc4: {  	(tm) =	ssettm $0x7FFFFFFF  }
0xc5: {  	_ =	shalt  }
tec
execute0_lowered:
.L_overlay_start_1:
0x0: {  	(tag) =	ssettag $0x1  }
0x1: {  	s5 =	rddreg [dreg:$0x0]  }
0x2: {  	s4 =	rddreg [dreg:$0x1]  }
0x3: {  	s6 =	rddreg [dreg:$0x2]  }
0x4: {  	s2 =	srdreg.scid;
	s0 =	rddreg [dreg:$0x3]  }
0x5: {  	s1 =	stileid.u32;
	s12 =	simm.s32 $0x200;
	s13 =	simm.s32 $0x400  }
0x6: {  	s14 =	simm.s32 $0x8600;
	s15 =	simm.s32 $0x1;
	s16 =	simm.s32 $0x600  }
0x7: {  	s17 =	simm.s32 $0x2;
	s18 =	simm.s32 $0x3;
	s19 =	simm.s32 $0x4600  }
0x8: {  	s20 =	simm.s32 $0x6600;
	s21 =	simm.s32 $0x10;
	s22 =	simm.s32 $0x80  }
0x9: {  	s23 =	simm.s32 $0x20;
	s24 =	simm.s32 $0x0;
	s7 =	sand.u32 $0x1, s2  }
0xa: {  	s2 =	simm.s32 $0x0;
	s3 =	sshll.u32 s1, $0xA;
	s8 =	sshll.u32 s7, $0x9  }
0xb: {  	[smem:$0x7FF] =	sst s2;
	s7 =	ssub.s32 $0x2, s7;
	s8 =	sor.u32 s8, s3  }
0xc: {  	_ =	strace $0x80000047;
	s3 =	sadd.s32 $0x189A00, s4;
	s11 =	sshrl.u32 s7, $0x1  }
0xd: {  	s9 =	sshrl.u32 s8, $0x3;
	s8 =	sshll.u32 s8, $0x4;
	s11 =	ssub.s32 s7, s11  }
0xe: {  	s10 =	sadd.s32 s9, s4;
	s4 =	sadd.s32 $0x3000, s4;
	s5 =	sadd.s32 s5, s9  }
0xf: {  	v0 =	vlaneseq.u32;
	s6 =	sadd.s32 s6, s8;
	s11 =	smax.u32 s11, $0x1;
	s7 =	sadd.s32 $0x2800, s10  }
0x10: {  	v0 =	vmul.u32 $0x10, v0;
	s8 =	sadd.s32 $0x2000, s10;
	s9 =	sadd.s32 $0x4, s6;
	s10 =	sadd.s32 $0x6, s6  }
.LBB2_1:
0x11: {  	[tilespmem:s2], [sflag:$0x1] =	stream.linear.gather [hbm4b:s5+s2], $0x200, $0x38;
	[tilespmem:$0xC4C0] =	vst v63  }
0x12: {  	_ = 	snop  }
0x13: {  	[tilespmem:s12], [sflag:$0x2] =	stream.linear.gather [hbm4b:s7+s2], $0x200, $0x38;
	[tilespmem:$0xC4C0] =	vst v63  }
0x14: {  	_ = 	snop  }
0x15: {  	[tilespmem:s13], [sflag:$0x3] =	stream.linear.gather [hbm4b:s8+s2], $0x200, $0x38;
	[tilespmem:$0xC4C0] =	vst v63  }
0x16: {  	_ = 	snop  }
0x17: {  	[tilespmem:s14], [sflag:$0x2] =	stream.linear.gather [hbm4b:s4+s2], $0x3EC0, $0x38;
	[tilespmem:$0xC4C0] =	vst v63  }
0x18: {  	_ =	swait.ge [sflag:s15], $0x200  }
0x19: {  	[sflag:s15] =	ssyncset.done $0x0  }
0x1a: {  	[sflag:s15] =	ssyncadd.s32 $0xFFFFFE00  }
0x1b: {  	[tilespmem:s16], [sflag:$0x1] =	stream.indirect.gather [hbm4b:s3+s12], $0x20, s2, s12, $0xb8;
	[tilespmem:$0xC4C0] =	vst v63  }
0x1c: {  	_ =	swait.ge [sflag:s17], $0x200  }
0x1d: {  	[sflag:s17] =	ssyncset.done $0x0  }
0x1e: {  	[sflag:s17] =	ssyncadd.s32 $0xFFFFFE00  }
0x1f: {  	_ =	swait.ge [sflag:s18], $0x200  }
0x20: {  	[sflag:s18] =	ssyncset.done $0x0  }
0x21: {  	[sflag:s18] =	ssyncadd.s32 $0xFFFFFE00  }
0x22: {  	_ =	swait.ge [sflag:s17], $0x3EC0  }
0x23: {  	s25 =	simm.s32 $0xFFFFFFFE;
	s26 =	simm.s32 $0x210;
	[sflag:s17] =	ssyncset.done $0x0  }
0x24: {  	s28 =	simm.s32 $0x410;
	s29 =	simm.s32 $0x10;
	[sflag:s17] =	ssyncadd.s32 $0xFFFFC140  }
.LBB2_2:
0x25: {  	v1 =	vld [tilespmem:s26+$0xFFFFFFF0];
	_ =	sdelay $0x4  }
0x26: {  	v2 =	vld [tilespmem:s28+$0xFFFFFFF0];
	v1 =	vshll.u32 v1, $0x4;
	_ =	sdelay $0x1  }
0x27: {  	s30 =	sadd.s32 $0xFFFFFFF0, s29  }
0x28: {  	v3 =	vmov s30  }
0x29: {  	v3 =	vshll.u32 v3, $0x4  }
0x2a: {  	v3 =	vor.u32 v0, v3;
	v2 =	vshll.u32 v2, $0x4;
	v4 =	vld.idx.msk [tilespmem:v1+s14+$0x0], $0xffff  }
0x2b: {  	v5 =	vadd.s32 $0x3E80, v2;
	_ =	sdelay $0x3  }
0x2c: {  	[tilespmem:v3+s19+$0x0] =	vst.idx.msk $0xffff, v4  }
0x2d: {  	v4 =	vld.idx.msk [tilespmem:v5+s14+$0x0], $0xffff  }
0x2e: {  	v35 =	vor.u32 $0x1, v1;
	_ =	sdelay $0x3  }
0x2f: {  	[tilespmem:v3+s20+$0x0] =	vst.idx.msk $0xffff, v4  }
0x30: {  	v36 =	vor.u32 $0x1, v3;
	v4 =	vld.idx.msk [tilespmem:v35+s14+$0x0], $0xffff  }
0x31: {  	v6 =	vadd.s32 $0x3E81, v2;
	_ =	sdelay $0x3  }
0x32: {  	[tilespmem:v36+s19+$0x0] =	vst.idx.msk $0xffff, v4  }
0x33: {  	v4 =	vld.idx.msk [tilespmem:v6+s14+$0x0], $0xffff  }
0x34: {  	v37 =	vor.u32 $0x2, v1;
	_ =	sdelay $0x3  }
0x35: {  	[tilespmem:v36+s20+$0x0] =	vst.idx.msk $0xffff, v4  }
0x36: {  	v38 =	vor.u32 $0x2, v3;
	v4 =	vld.idx.msk [tilespmem:v37+s14+$0x0], $0xffff  }
0x37: {  	v39 =	vadd.s32 $0x3E82, v2;
	_ =	sdelay $0x3  }
0x38: {  	[tilespmem:v38+s19+$0x0] =	vst.idx.msk $0xffff, v4  }
0x39: {  	v4 =	vld.idx.msk [tilespmem:v39+s14+$0x0], $0xffff  }
0x3a: {  	v40 =	vor.u32 $0x3, v1;
	_ =	sdelay $0x3  }
0x3b: {  	[tilespmem:v38+s20+$0x0] =	vst.idx.msk $0xffff, v4  }
0x3c: {  	v41 =	vor.u32 $0x3, v3;
	v4 =	vld.idx.msk [tilespmem:v40+s14+$0x0], $0xffff  }
0x3d: {  	v42 =	vadd.s32 $0x3E83, v2;
	_ =	sdelay $0x3  }
0x3e: {  	[tilespmem:v41+s19+$0x0] =	vst.idx.msk $0xffff, v4  }
0x3f: {  	v4 =	vld.idx.msk [tilespmem:v42+s14+$0x0], $0xffff  }
0x40: {  	v43 =	vor.u32 $0x4, v1;
	_ =	sdelay $0x3  }
0x41: {  	[tilespmem:v41+s20+$0x0] =	vst.idx.msk $0xffff, v4  }
0x42: {  	v44 =	vor.u32 $0x4, v3;
	v4 =	vld.idx.msk [tilespmem:v43+s14+$0x0], $0xffff  }
0x43: {  	v45 =	vadd.s32 $0x3E84, v2;
	_ =	sdelay $0x3  }
0x44: {  	[tilespmem:v44+s19+$0x0] =	vst.idx.msk $0xffff, v4  }
0x45: {  	v4 =	vld.idx.msk [tilespmem:v45+s14+$0x0], $0xffff  }
0x46: {  	v46 =	vor.u32 $0x5, v1;
	_ =	sdelay $0x3  }
0x47: {  	[tilespmem:v44+s20+$0x0] =	vst.idx.msk $0xffff, v4  }
0x48: {  	v47 =	vor.u32 $0x5, v3;
	v4 =	vld.idx.msk [tilespmem:v46+s14+$0x0], $0xffff  }
0x49: {  	v48 =	vadd.s32 $0x3E85, v2;
	_ =	sdelay $0x3  }
0x4a: {  	[tilespmem:v47+s19+$0x0] =	vst.idx.msk $0xffff, v4  }
0x4b: {  	v4 =	vld.idx.msk [tilespmem:v48+s14+$0x0], $0xffff  }
0x4c: {  	v49 =	vor.u32 $0x6, v1;
	_ =	sdelay $0x3  }
0x4d: {  	[tilespmem:v47+s20+$0x0] =	vst.idx.msk $0xffff, v4  }
0x4e: {  	v50 =	vor.u32 $0x6, v3;
	v4 =	vld.idx.msk [tilespmem:v49+s14+$0x0], $0xffff  }
0x4f: {  	v51 =	vadd.s32 $0x3E86, v2;
	_ =	sdelay $0x3  }
0x50: {  	[tilespmem:v50+s19+$0x0] =	vst.idx.msk $0xffff, v4  }
0x51: {  	v4 =	vld.idx.msk [tilespmem:v51+s14+$0x0], $0xffff  }
0x52: {  	v52 =	vor.u32 $0x7, v1;
	_ =	sdelay $0x3  }
0x53: {  	[tilespmem:v50+s20+$0x0] =	vst.idx.msk $0xffff, v4  }
0x54: {  	v53 =	vor.u32 $0x7, v3;
	v4 =	vld.idx.msk [tilespmem:v52+s14+$0x0], $0xffff  }
0x55: {  	v54 =	vadd.s32 $0x3E87, v2;
	_ =	sdelay $0x3  }
0x56: {  	[tilespmem:v53+s19+$0x0] =	vst.idx.msk $0xffff, v4  }
0x57: {  	v4 =	vld.idx.msk [tilespmem:v54+s14+$0x0], $0xffff  }
0x58: {  	v55 =	vor.u32 $0x8, v1;
	_ =	sdelay $0x3  }
0x59: {  	[tilespmem:v53+s20+$0x0] =	vst.idx.msk $0xffff, v4  }
0x5a: {  	v56 =	vor.u32 $0x8, v3;
	v4 =	vld.idx.msk [tilespmem:v55+s14+$0x0], $0xffff  }
0x5b: {  	v57 =	vadd.s32 $0x3E88, v2;
	_ =	sdelay $0x3  }
0x5c: {  	[tilespmem:v56+s19+$0x0] =	vst.idx.msk $0xffff, v4  }
0x5d: {  	v4 =	vld.idx.msk [tilespmem:v57+s14+$0x0], $0xffff  }
0x5e: {  	v58 =	vor.u32 $0x9, v1;
	_ =	sdelay $0x3  }
0x5f: {  	[tilespmem:v56+s20+$0x0] =	vst.idx.msk $0xffff, v4  }
0x60: {  	v59 =	vor.u32 $0x9, v3;
	v4 =	vld.idx.msk [tilespmem:v58+s14+$0x0], $0xffff  }
0x61: {  	v60 =	vadd.s32 $0x3E89, v2;
	_ =	sdelay $0x3  }
0x62: {  	[tilespmem:v59+s19+$0x0] =	vst.idx.msk $0xffff, v4  }
0x63: {  	v4 =	vld.idx.msk [tilespmem:v60+s14+$0x0], $0xffff  }
0x64: {  	v61 =	vor.u32 $0xA, v1;
	_ =	sdelay $0x3  }
0x65: {  	[tilespmem:v59+s20+$0x0] =	vst.idx.msk $0xffff, v4  }
0x66: {  	v62 =	vor.u32 $0xA, v3;
	v4 =	vld.idx.msk [tilespmem:v61+s14+$0x0], $0xffff  }
0x67: {  	v63 =	vadd.s32 $0x3E8A, v2;
	_ =	sdelay $0x3  }
0x68: {  	[tilespmem:v62+s19+$0x0] =	vst.idx.msk $0xffff, v4  }
0x69: {  	v4 =	vld.idx.msk [tilespmem:v63+s14+$0x0], $0xffff  }
0x6a: {  	v9 =	vor.u32 $0xB, v1;
	_ =	sdelay $0x3  }
0x6b: {  	[tilespmem:v62+s20+$0x0] =	vst.idx.msk $0xffff, v4  }
0x6c: {  	v10 =	vor.u32 $0xB, v3;
	v4 =	vld.idx.msk [tilespmem:v9+s14+$0x0], $0xffff  }
0x6d: {  	v11 =	vadd.s32 $0x3E8B, v2;
	_ =	sdelay $0x3  }
0x6e: {  	[tilespmem:v10+s19+$0x0] =	vst.idx.msk $0xffff, v4  }
0x6f: {  	v4 =	vld.idx.msk [tilespmem:v11+s14+$0x0], $0xffff  }
0x70: {  	v12 =	vor.u32 $0xC, v1;
	_ =	sdelay $0x3  }
0x71: {  	[tilespmem:v10+s20+$0x0] =	vst.idx.msk $0xffff, v4  }
0x72: {  	v13 =	vor.u32 $0xC, v3;
	v4 =	vld.idx.msk [tilespmem:v12+s14+$0x0], $0xffff  }
0x73: {  	v14 =	vadd.s32 $0x3E8C, v2;
	_ =	sdelay $0x3  }
0x74: {  	[tilespmem:v13+s19+$0x0] =	vst.idx.msk $0xffff, v4  }
0x75: {  	v4 =	vld.idx.msk [tilespmem:v14+s14+$0x0], $0xffff  }
0x76: {  	v15 =	vor.u32 $0xD, v1;
	_ =	sdelay $0x3  }
0x77: {  	[tilespmem:v13+s20+$0x0] =	vst.idx.msk $0xffff, v4  }
0x78: {  	v16 =	vor.u32 $0xD, v3;
	v4 =	vld.idx.msk [tilespmem:v15+s14+$0x0], $0xffff  }
0x79: {  	v17 =	vadd.s32 $0x3E8D, v2;
	_ =	sdelay $0x3  }
0x7a: {  	[tilespmem:v16+s19+$0x0] =	vst.idx.msk $0xffff, v4  }
0x7b: {  	v4 =	vld.idx.msk [tilespmem:v17+s14+$0x0], $0xffff  }
0x7c: {  	v18 =	vor.u32 $0xE, v1;
	_ =	sdelay $0x3  }
0x7d: {  	[tilespmem:v16+s20+$0x0] =	vst.idx.msk $0xffff, v4  }
0x7e: {  	v19 =	vor.u32 $0xE, v3;
	v4 =	vld.idx.msk [tilespmem:v18+s14+$0x0], $0xffff  }
0x7f: {  	v20 =	vadd.s32 $0x3E8E, v2;
	_ =	sdelay $0x3  }
0x80: {  	[tilespmem:v19+s19+$0x0] =	vst.idx.msk $0xffff, v4  }
0x81: {  	v4 =	vld.idx.msk [tilespmem:v20+s14+$0x0], $0xffff  }
0x82: {  	v1 =	vor.u32 $0xF, v1;
	_ =	sdelay $0x3  }
0x83: {  	[tilespmem:v19+s20+$0x0] =	vst.idx.msk $0xffff, v4  }
0x84: {  	v3 =	vor.u32 $0xF, v3;
	v1 =	vld.idx.msk [tilespmem:v1+s14+$0x0], $0xffff  }
0x85: {  	v2 =	vadd.s32 $0x3E8F, v2;
	_ =	sdelay $0x3  }
0x86: {  	[tilespmem:v3+s19+$0x0] =	vst.idx.msk $0xffff, v1  }
0x87: {  	v1 =	vld.idx.msk [tilespmem:v2+s14+$0x0], $0xffff;
	_ =	sdelay $0x4  }
0x88: {  	[tilespmem:v3+s20+$0x0] =	vst.idx.msk $0xffff, v1  }
0x89: {  	v1 =	vld [tilespmem:s26+$0x0];
	_ =	sdelay $0x4  }
0x8a: {  	v2 =	vld [tilespmem:s28+$0x0];
	v1 =	vshll.u32 v1, $0x4;
	_ =	sdelay $0x2  }
0x8b: {  	v3 =	vmov s29  }
0x8c: {  	v3 =	vshll.u32 v3, $0x4  }
0x8d: {  	v3 =	vor.u32 v0, v3;
	v2 =	vshll.u32 v2, $0x4;
	v4 =	vld.idx.msk [tilespmem:v1+s14+$0x0], $0xffff  }
0x8e: {  	v21 =	vadd.s32 $0x3E80, v2;
	_ =	sdelay $0x3  }
0x8f: {  	[tilespmem:v3+s19+$0x0] =	vst.idx.msk $0xffff, v4  }
0x90: {  	v4 =	vld.idx.msk [tilespmem:v21+s14+$0x0], $0xffff  }
0x91: {  	v22 =	vor.u32 $0x1, v1;
	_ =	sdelay $0x3  }
0x92: {  	[tilespmem:v3+s20+$0x0] =	vst.idx.msk $0xffff, v4  }
0x93: {  	v23 =	vor.u32 $0x1, v3;
	v4 =	vld.idx.msk [tilespmem:v22+s14+$0x0], $0xffff  }
0x94: {  	v24 =	vadd.s32 $0x3E81, v2;
	_ =	sdelay $0x3  }
0x95: {  	[tilespmem:v23+s19+$0x0] =	vst.idx.msk $0xffff, v4  }
0x96: {  	v4 =	vld.idx.msk [tilespmem:v24+s14+$0x0], $0xffff  }
0x97: {  	v25 =	vor.u32 $0x2, v1;
	_ =	sdelay $0x3  }
0x98: {  	[tilespmem:v23+s20+$0x0] =	vst.idx.msk $0xffff, v4  }
0x99: {  	v26 =	vor.u32 $0x2, v3;
	v4 =	vld.idx.msk [tilespmem:v25+s14+$0x0], $0xffff  }
0x9a: {  	v27 =	vadd.s32 $0x3E82, v2;
	_ =	sdelay $0x3  }
0x9b: {  	[tilespmem:v26+s19+$0x0] =	vst.idx.msk $0xffff, v4  }
0x9c: {  	v4 =	vld.idx.msk [tilespmem:v27+s14+$0x0], $0xffff  }
0x9d: {  	v28 =	vor.u32 $0x3, v1;
	_ =	sdelay $0x3  }
0x9e: {  	[tilespmem:v26+s20+$0x0] =	vst.idx.msk $0xffff, v4  }
0x9f: {  	v29 =	vor.u32 $0x3, v3;
	v4 =	vld.idx.msk [tilespmem:v28+s14+$0x0], $0xffff  }
0xa0: {  	v30 =	vadd.s32 $0x3E83, v2;
	_ =	sdelay $0x3  }
0xa1: {  	[tilespmem:v29+s19+$0x0] =	vst.idx.msk $0xffff, v4  }
0xa2: {  	v4 =	vld.idx.msk [tilespmem:v30+s14+$0x0], $0xffff  }
0xa3: {  	v31 =	vor.u32 $0x4, v1;
	_ =	sdelay $0x3  }
0xa4: {  	[tilespmem:v29+s20+$0x0] =	vst.idx.msk $0xffff, v4  }
0xa5: {  	v32 =	vor.u32 $0x4, v3;
	v4 =	vld.idx.msk [tilespmem:v31+s14+$0x0], $0xffff  }
0xa6: {  	v33 =	vadd.s32 $0x3E84, v2;
	_ =	sdelay $0x3  }
0xa7: {  	[tilespmem:v32+s19+$0x0] =	vst.idx.msk $0xffff, v4  }
0xa8: {  	v4 =	vld.idx.msk [tilespmem:v33+s14+$0x0], $0xffff  }
0xa9: {  	v34 =	vor.u32 $0x5, v1;
	_ =	sdelay $0x3  }
0xaa: {  	[tilespmem:v32+s20+$0x0] =	vst.idx.msk $0xffff, v4  }
0xab: {  	v35 =	vor.u32 $0x5, v3;
	v4 =	vld.idx.msk [tilespmem:v34+s14+$0x0], $0xffff  }
0xac: {  	v36 =	vadd.s32 $0x3E85, v2;
	_ =	sdelay $0x3  }
0xad: {  	[tilespmem:v35+s19+$0x0] =	vst.idx.msk $0xffff, v4  }
0xae: {  	v4 =	vld.idx.msk [tilespmem:v36+s14+$0x0], $0xffff  }
0xaf: {  	v37 =	vor.u32 $0x6, v1;
	_ =	sdelay $0x3  }
0xb0: {  	[tilespmem:v35+s20+$0x0] =	vst.idx.msk $0xffff, v4  }
0xb1: {  	v38 =	vor.u32 $0x6, v3;
	v4 =	vld.idx.msk [tilespmem:v37+s14+$0x0], $0xffff  }
0xb2: {  	v39 =	vadd.s32 $0x3E86, v2;
	_ =	sdelay $0x3  }
0xb3: {  	[tilespmem:v38+s19+$0x0] =	vst.idx.msk $0xffff, v4  }
0xb4: {  	v4 =	vld.idx.msk [tilespmem:v39+s14+$0x0], $0xffff  }
0xb5: {  	v40 =	vor.u32 $0x7, v1;
	_ =	sdelay $0x3  }
0xb6: {  	[tilespmem:v38+s20+$0x0] =	vst.idx.msk $0xffff, v4  }
0xb7: {  	v41 =	vor.u32 $0x7, v3;
	v4 =	vld.idx.msk [tilespmem:v40+s14+$0x0], $0xffff  }
0xb8: {  	v42 =	vadd.s32 $0x3E87, v2;
	_ =	sdelay $0x3  }
0xb9: {  	[tilespmem:v41+s19+$0x0] =	vst.idx.msk $0xffff, v4  }
0xba: {  	v4 =	vld.idx.msk [tilespmem:v42+s14+$0x0], $0xffff  }
0xbb: {  	v43 =	vor.u32 $0x8, v1;
	_ =	sdelay $0x3  }
0xbc: {  	[tilespmem:v41+s20+$0x0] =	vst.idx.msk $0xffff, v4  }
0xbd: {  	v44 =	vor.u32 $0x8, v3;
	v4 =	vld.idx.msk [tilespmem:v43+s14+$0x0], $0xffff  }
0xbe: {  	v45 =	vadd.s32 $0x3E88, v2;
	_ =	sdelay $0x3  }
0xbf: {  	[tilespmem:v44+s19+$0x0] =	vst.idx.msk $0xffff, v4  }
0xc0: {  	v4 =	vld.idx.msk [tilespmem:v45+s14+$0x0], $0xffff  }
0xc1: {  	v46 =	vor.u32 $0x9, v1;
	_ =	sdelay $0x3  }
0xc2: {  	[tilespmem:v44+s20+$0x0] =	vst.idx.msk $0xffff, v4  }
0xc3: {  	v47 =	vor.u32 $0x9, v3;
	v4 =	vld.idx.msk [tilespmem:v46+s14+$0x0], $0xffff  }
0xc4: {  	v48 =	vadd.s32 $0x3E89, v2;
	_ =	sdelay $0x3  }
0xc5: {  	[tilespmem:v47+s19+$0x0] =	vst.idx.msk $0xffff, v4  }
0xc6: {  	v4 =	vld.idx.msk [tilespmem:v48+s14+$0x0], $0xffff  }
0xc7: {  	v49 =	vor.u32 $0xA, v1;
	_ =	sdelay $0x3  }
0xc8: {  	[tilespmem:v47+s20+$0x0] =	vst.idx.msk $0xffff, v4  }
0xc9: {  	v50 =	vor.u32 $0xA, v3;
	v4 =	vld.idx.msk [tilespmem:v49+s14+$0x0], $0xffff  }
0xca: {  	v51 =	vadd.s32 $0x3E8A, v2;
	_ =	sdelay $0x3  }
0xcb: {  	[tilespmem:v50+s19+$0x0] =	vst.idx.msk $0xffff, v4  }
0xcc: {  	v4 =	vld.idx.msk [tilespmem:v51+s14+$0x0], $0xffff  }
0xcd: {  	v52 =	vor.u32 $0xB, v1;
	_ =	sdelay $0x3  }
0xce: {  	[tilespmem:v50+s20+$0x0] =	vst.idx.msk $0xffff, v4  }
0xcf: {  	v53 =	vor.u32 $0xB, v3;
	v4 =	vld.idx.msk [tilespmem:v52+s14+$0x0], $0xffff  }
0xd0: {  	v54 =	vadd.s32 $0x3E8B, v2;
	_ =	sdelay $0x3  }
0xd1: {  	[tilespmem:v53+s19+$0x0] =	vst.idx.msk $0xffff, v4  }
0xd2: {  	v4 =	vld.idx.msk [tilespmem:v54+s14+$0x0], $0xffff  }
0xd3: {  	v55 =	vor.u32 $0xC, v1;
	_ =	sdelay $0x3  }
0xd4: {  	[tilespmem:v53+s20+$0x0] =	vst.idx.msk $0xffff, v4  }
0xd5: {  	v56 =	vor.u32 $0xC, v3;
	v4 =	vld.idx.msk [tilespmem:v55+s14+$0x0], $0xffff  }
0xd6: {  	v57 =	vadd.s32 $0x3E8C, v2;
	_ =	sdelay $0x3  }
0xd7: {  	[tilespmem:v56+s19+$0x0] =	vst.idx.msk $0xffff, v4  }
0xd8: {  	v4 =	vld.idx.msk [tilespmem:v57+s14+$0x0], $0xffff  }
0xd9: {  	v58 =	vor.u32 $0xD, v1;
	_ =	sdelay $0x3  }
0xda: {  	[tilespmem:v56+s20+$0x0] =	vst.idx.msk $0xffff, v4  }
0xdb: {  	v59 =	vor.u32 $0xD, v3;
	v4 =	vld.idx.msk [tilespmem:v58+s14+$0x0], $0xffff  }
0xdc: {  	v60 =	vadd.s32 $0x3E8D, v2;
	_ =	sdelay $0x3  }
0xdd: {  	[tilespmem:v59+s19+$0x0] =	vst.idx.msk $0xffff, v4  }
0xde: {  	v4 =	vld.idx.msk [tilespmem:v60+s14+$0x0], $0xffff  }
0xdf: {  	v61 =	vor.u32 $0xE, v1;
	_ =	sdelay $0x3  }
0xe0: {  	[tilespmem:v59+s20+$0x0] =	vst.idx.msk $0xffff, v4  }
0xe1: {  	v62 =	vor.u32 $0xE, v3;
	v4 =	vld.idx.msk [tilespmem:v61+s14+$0x0], $0xffff  }
0xe2: {  	v63 =	vadd.s32 $0x3E8E, v2;
	_ =	sdelay $0x3  }
0xe3: {  	[tilespmem:v62+s19+$0x0] =	vst.idx.msk $0xffff, v4  }
0xe4: {  	v4 =	vld.idx.msk [tilespmem:v63+s14+$0x0], $0xffff  }
0xe5: {  	v1 =	vor.u32 $0xF, v1;
	_ =	sdelay $0x3  }
0xe6: {  	[tilespmem:v62+s20+$0x0] =	vst.idx.msk $0xffff, v4  }
0xe7: {  	v3 =	vor.u32 $0xF, v3;
	v1 =	vld.idx.msk [tilespmem:v1+s14+$0x0], $0xffff  }
0xe8: {  	v2 =	vadd.s32 $0x3E8F, v2;
	_ =	sdelay $0x3  }
0xe9: {  	s25 =	sadd.s32 $0x2, s25;
	[tilespmem:v3+s19+$0x0] =	vst.idx.msk $0xffff, v1  }
0xea: {  	p0 =	slt.u32 s25, $0x1E;
	v1 =	vld.idx.msk [tilespmem:v2+s14+$0x0], $0xffff  }
.Ltmp0:
0xeb: {  	_ = 	snop;
	(pc) =	sbr.rel @p0 .LBB2_2-.Ltmp0, $2  }
0xec: {  	_ =	sdelay $0x2  }
0xed: {  	s29 =	sadd.s32 $0x20, s29;
	s26 =	sadd.s32 $0x20, s26;
	s28 =	sadd.s32 $0x20, s28;
	[tilespmem:v3+s20+$0x0] =	vst.idx.msk $0xffff, v1  }
0xee: {  	[hbm4b:s9+s21] =	stream.strided.scatter [tilespmem:s19], [sflag:$0x2], $0x2000, s22, s21, $0x38;
	[tilespmem:$0xC4C0] =	vst v63  }
0xef: {  	_ = 	snop  }
0xf0: {  	[hbm4b:s10+s21] =	stream.strided.scatter [tilespmem:s20], [sflag:$0x3], $0x2000, s22, s21, $0x38;
	[tilespmem:$0xC4C0] =	vst v63  }
0xf1: {  	_ =	swait.ge [sflag:s15], $0x4000  }
0xf2: {  	[sflag:s15] =	ssyncset.done $0x0  }
0xf3: {  	[sflag:s15] =	ssyncadd.s32 $0xFFFFC000  }
0xf4: {  	[hbm4b:s6+s23] =	stream.strided.scatter [tilespmem:s16], [sflag:$0x1], $0x4000, s22, s23, $0x38;
	[tilespmem:$0xC4C0] =	vst v63  }
0xf5: {  	_ =	swait.ge [sflag:s15], $0x4000  }
0xf6: {  	[sflag:s15] =	ssyncset.done $0x0  }
0xf7: {  	s24 =	sadd.s32 $0x1, s24;
	[sflag:s15] =	ssyncadd.s32 $0xFFFFC000  }
0xf8: {  	p0 =	sne.s32 s24, s11;
	_ =	swait.ge [sflag:s17], $0x2000  }
.Ltmp1:
0xf9: {  	[sflag:s17] =	ssyncset.done $0x0;
	(pc) =	sbr.rel @p0 .LBB2_1-.Ltmp1, $4  }
0xfa: {  	[sflag:s17] =	ssyncadd.s32 $0xFFFFE000  }
0xfb: {  	_ =	swait.ge [sflag:s18], $0x2000  }
0xfc: {  	[sflag:s18] =	ssyncset.done $0x0  }
0xfd: {  	[sflag:s18] =	ssyncadd.s32 $0xFFFFE000  }
0xfe: {  	_ =	sfence.sel $0x180000  }
0xff: {  	[bflag:$0x0] =	sbarrier.arrive $0xFFFF  }
0x100: {  	p0 =	sne.s32 s1, $0x0;
	_ =	strace $0x90000047  }
0x101: {  	s0 =	sadd.s32 @!p0 $0x100000, s0;
	[bflag:$0x2] =	sbarrier.arrive $0xFFFF  }
0x102: {  	[sflag:s0] =	ssyncadd.tile.s32 @!p0 $0x1;
	_ =	shalt  }
.Lfunc_end2:
_tile_overlayer_lowered:
.L_overlay_start_2:
0x103: {  	(tag) =	ssettag $0x2  }
0x104: {  	s0 =	rddreg [dreg:$0x0];
	s2 =	stileid.u32  }
0x105: {  	s1 =	rddreg [dreg:$0x1];
	p0 =	sne.s32 s2, $0x0  }
0x106: {  	s3 =	rddreg [dreg:$0x2];
	[bflag:$0x3] =	sbarrier.arrive $0xFFFF;
	s2 =	simm.s32 @!p0 $0x1C04  }
0x107: {  	[timem:s3], [sflag:s2] =	dma.local @!p0 [hbm:s0], s1  }
0x108: {  	s0 =	simm.s32 @!p0 $0x4  }
0x109: {  	_ =	swait.ge @!p0 [sflag:s0], s1  }
0x10a: {  	s1 =	ssub.s32 @!p0 $0x0, s1;
	[sflag:s0] =	ssyncset.done @!p0 $0x0  }
0x10b: {  	[sflag:s0] =	ssyncadd.s32 @!p0 s1  }
0x10c: {  	[bflag:$0x3] =	sbarrier.arrive $0xFFFF  }
0x10d: {  	_ =	shalt  }

</sc_bundles>
